<compile_context>
chip_gen: v7x
topology: tpu7x:2x2x1
jax: 0.10.2.dev20260603
libtpu: 0.0.44.dev20260713+nightly
codegen_flags: <defaults>
</compile_context>

<pallas_src>
import functools

import jax
import jax.numpy as jnp
from jax import lax
from jax.experimental import pallas as pl
from jax.experimental.pallas import tpu as pltpu
from jax.experimental.pallas import tpu_sc as plsc

_H = _W = 37
_NIN = 1039
_L = 16
_BR = 8
_NBLK = 5

_mesh = plsc.VectorSubcoreMesh(
    core_axis_name="c", subcore_axis_name="s", num_cores=1, num_subcores=_NBLK
)


def _src_and_valid(q, r):
    lo = jnp.maximum(18 - q, 0)
    hi = jnp.minimum(36, 54 - q)
    valid = (r >= lo) & (r <= hi)
    rs_top = 19 * q + (q * (q - 1)) // 2
    m = q - 18
    rs_bot = 495 + 37 * m - (m * (m - 1)) // 2
    src = jnp.where(q <= 18, rs_top, rs_bot) + r - lo
    src = jnp.clip(jnp.where(valid, src, 0), 0, _NIN - 1)
    return src, valid


@functools.partial(
    pl.kernel,
    mesh=_mesh,
    out_type=jax.ShapeDtypeStruct((_H, _W), jnp.float32),
    scratch_types=[
        pltpu.VMEM((_NIN,), jnp.float32),
        pltpu.VMEM((_BR, _W), jnp.float32),
        pltpu.SemaphoreType.DMA,
    ],
    compiler_params=pltpu.CompilerParams(needs_layout_passes=False),
)
def _hexa_gather(hexa_hbm, out_hbm, hexa_v, blk_v, sem):
    wid = lax.axis_index("s")
    q0 = wid * _BR
    zeros = jnp.zeros((_L,), jnp.float32)
    cp = pltpu.async_copy(hexa_hbm, hexa_v, sem)
    chunks = []
    for row in range(_BR):
        q = q0 + row
        for col0 in (0, 16, _W - _L):
            r = col0 + lax.iota(jnp.int32, _L)
            src, valid = _src_and_valid(q, r)
            chunks.append((row, col0, src, valid))
    cp.wait()
    for row, col0, src, valid in chunks:
        vals = plsc.load_gather(hexa_v, [src])
        blk_v[row, pl.ds(col0, _L)] = jnp.where(valid, vals, zeros)
    pltpu.sync_copy(blk_v, out_hbm.at[pl.ds(q0, _BR)])


def kernel(hexa):
    return _hexa_gather(hexa)

# --- scband reference (transcript-rebuilt; emitter-appended) ---
"""Pipeline reference for scband-hexa-to-parallelogram-33578054320625 (READ-ONLY COPY).

The authoritative reference and input builder live on the scoring server;
editing this copy changes nothing except your own understanding.
"""

import jax, jax.numpy as jnp
import numpy as np

NUM_PIXELS = 1039
PADDING_VALUE = 0.0


def _lookup_table():
    # Reconstruction of magic.Geometry.lookup_table(): axial hex coordinates
    # (q, r) of the MAGIC camera's hexagonal pixel lattice -> flat pixel index.
    # Full hexagon of radius 18 has 1 + 3*18*19 = 1027 pixels (<= NUM_PIXELS),
    # enumerated in lexicographic (q, r) order.
    R = 18
    lt = {}
    idx = 0
    for q in range(-R, R + 1):
        for r in range(max(-R, -q - R), min(R, -q + R) + 1):
            lt[(q, r)] = idx
            idx += 1
    return lt


def setup_inputs(seed: int = 0) -> dict:
    key = jax.random.key(seed)
    hexa = jax.random.normal(key, (NUM_PIXELS,), dtype=jnp.float32)
    return {"hexa": hexa}


def reference(hexa):
    lt = _lookup_table()
    hexa = hexa[:NUM_PIXELS]
    qs, rs = (list(t) for t in zip(*lt.keys()))
    q_max, r_max = max(qs), max(rs)
    H, W = 2 * q_max + 1, 2 * r_max + 1
    # Precompute scatter coordinates (constants derived from the lookup table,
    # exactly mirroring the torch double loop: tensor[q][r] = hexa[lt[key]]).
    keys = list(lt.keys())
    qi = np.array([q + q_max for (q, r) in keys], dtype=np.int32)
    ri = np.array([r + r_max for (q, r) in keys], dtype=np.int32)
    pix = np.array([lt[k] for k in keys], dtype=np.int32)
    tensor = jnp.full((H, W), PADDING_VALUE, dtype=hexa.dtype)
    tensor = tensor.at[qi, ri].set(hexa[pix])
    return tensor

if __name__ == "__main__":
    import jax
    _d = setup_inputs()
    print(jax.jit(kernel)(*tuple(_d.values())))

</pallas_src>

<mosaic_0001>
#map = affine_map<(d0, d1) -> (0)>
#map1 = affine_map<(d0, d1) -> (0, 0)>
module attributes {stable_mosaic.version = 14 : i64} {
  func.func @_hexa_gather(%arg0: i32, %arg1: i32, %arg2: memref<1039xf32, #tpu.memory_space<hbm>>, %arg3: memref<37x37xf32, #tpu.memory_space<hbm>>, %arg4: memref<1039xf32, #tpu.memory_space<vmem>>, %arg5: memref<8x37xf32, #tpu.memory_space<vmem>>, %arg6: memref<!tpu.dma_semaphore, #tpu.memory_space<semaphore_mem>>) attributes {dimension_semantics = [#tpu.dimension_semantics<core_parallel>, #tpu.dimension_semantics<subcore_parallel>], iteration_bounds = array<i64: 1, 5>, scalar_prefetch = 0 : i64, scratch_operands = 3 : i64, tpu.core_type = #tpu.core_type<sc_vector_subcore>, window_params = [{transform_indices = #map}, {transform_indices = #map1}]} {
    %mul3A = arith.constant 8 : i32
    %mul3A_0 = arith.muli %arg1, %mul3A : i32
    %broadcast_in_dim3A = arith.constant 0.000000e+00 : f32
    %broadcast_in_dim3A_1 = vector.broadcast %broadcast_in_dim3A : f32 to vector<16xf32>
    tpu.enqueue_dma source(%arg2 : memref<1039xf32, #tpu.memory_space<hbm>>) target(%arg4 : memref<1039xf32, #tpu.memory_space<vmem>>) target_semaphore(%arg6 : memref<!tpu.dma_semaphore, #tpu.memory_space<semaphore_mem>>)
    %add3A = arith.constant 0 : i32
    %add3A_2 = arith.addi %mul3A_0, %add3A : i32
    %iota3A = tpu.iota {dimensions = array<i32: 0>} : vector<16xi32>
    %add3A_3 = arith.constant 0 : i32
    %add3A_4 = vector.broadcast %add3A_3 : i32 to vector<16xi32>
    %add3A_5 = arith.addi %add3A_4, %iota3A : vector<16xi32>
    %sub3A = arith.constant 18 : i32
    %sub3A_6 = arith.subi %sub3A, %add3A_2 : i32
    %max3A = arith.constant 0 : i32
    %max3A_7 = arith.maxsi %sub3A_6, %max3A : i32
    %sub3A_8 = arith.constant 54 : i32
    %sub3A_9 = arith.subi %sub3A_8, %add3A_2 : i32
    %min3A = arith.constant 36 : i32
    %min3A_10 = arith.minsi %min3A, %sub3A_9 : i32
    %ge3A = vector.broadcast %max3A_7 : i32 to vector<16xi32>
    %ge3A_11 = arith.cmpi sge, %add3A_5, %ge3A : vector<16xi32>
    %le3A = vector.broadcast %min3A_10 : i32 to vector<16xi32>
    %le3A_12 = arith.cmpi sle, %add3A_5, %le3A : vector<16xi32>
    %and3A = arith.andi %ge3A_11, %le3A_12 : vector<16xi1>
    %mul3A_13 = arith.constant 19 : i32
    %mul3A_14 = arith.muli %mul3A_13, %add3A_2 : i32
    %sub3A_15 = arith.constant 1 : i32
    %sub3A_16 = arith.subi %add3A_2, %sub3A_15 : i32
    %mul3A_17 = arith.muli %add3A_2, %sub3A_16 : i32
    %jit3A = arith.constant 2 : i32
    %div3A = arith.divsi %mul3A_17, %jit3A : i32
    %sign3A = arith.constant 0 : i32
    %sign3A_18 = arith.cmpi sgt, %mul3A_17, %sign3A : i32
    %sign3A_19 = arith.extui %sign3A_18 : i1 to i32
    %sign3A_20 = arith.constant 0 : i32
    %sign3A_21 = arith.cmpi slt, %mul3A_17, %sign3A_20 : i32
    %sign3A_22 = arith.extui %sign3A_21 : i1 to i32
    %sign3A_23 = arith.subi %sign3A_19, %sign3A_22 : i32
    %sign3A_24 = arith.constant 0 : i32
    %sign3A_25 = arith.cmpi sgt, %jit3A, %sign3A_24 : i32
    %sign3A_26 = arith.extui %sign3A_25 : i1 to i32
    %sign3A_27 = arith.constant 0 : i32
    %sign3A_28 = arith.cmpi slt, %jit3A, %sign3A_27 : i32
    %sign3A_29 = arith.extui %sign3A_28 : i1 to i32
    %sign3A_30 = arith.subi %sign3A_26, %sign3A_29 : i32
    %ne3A = arith.cmpi ne, %sign3A_23, %sign3A_30 : i32
    %rem3A = arith.remsi %mul3A_17, %jit3A : i32
    %ne3A_31 = arith.constant 0 : i32
    %ne3A_32 = arith.cmpi ne, %rem3A, %ne3A_31 : i32
    %and3A_33 = arith.andi %ne3A, %ne3A_32 : i1
    %sub3A_34 = arith.constant 1 : i32
    %sub3A_35 = arith.subi %div3A, %sub3A_34 : i32
    %select_n3A = arith.select %and3A_33, %sub3A_35, %div3A : i32
    %add3A_36 = arith.addi %mul3A_14, %select_n3A : i32
    %sub3A_37 = arith.constant 18 : i32
    %sub3A_38 = arith.subi %add3A_2, %sub3A_37 : i32
    %mul3A_39 = arith.constant 37 : i32
    %mul3A_40 = arith.muli %mul3A_39, %sub3A_38 : i32
    %add3A_41 = arith.constant 495 : i32
    %add3A_42 = arith.addi %add3A_41, %mul3A_40 : i32
    %sub3A_43 = arith.constant 1 : i32
    %sub3A_44 = arith.subi %sub3A_38, %sub3A_43 : i32
    %mul3A_45 = arith.muli %sub3A_38, %sub3A_44 : i32
    %jit3A_46 = arith.constant 2 : i32
    %div3A_47 = arith.divsi %mul3A_45, %jit3A_46 : i32
    %sign3A_48 = arith.constant 0 : i32
    %sign3A_49 = arith.cmpi sgt, %mul3A_45, %sign3A_48 : i32
    %sign3A_50 = arith.extui %sign3A_49 : i1 to i32
    %sign3A_51 = arith.constant 0 : i32
    %sign3A_52 = arith.cmpi slt, %mul3A_45, %sign3A_51 : i32
    %sign3A_53 = arith.extui %sign3A_52 : i1 to i32
    %sign3A_54 = arith.subi %sign3A_50, %sign3A_53 : i32
    %sign3A_55 = arith.constant 0 : i32
    %sign3A_56 = arith.cmpi sgt, %jit3A_46, %sign3A_55 : i32
    %sign3A_57 = arith.extui %sign3A_56 : i1 to i32
    %sign3A_58 = arith.constant 0 : i32
    %sign3A_59 = arith.cmpi slt, %jit3A_46, %sign3A_58 : i32
    %sign3A_60 = arith.extui %sign3A_59 : i1 to i32
    %sign3A_61 = arith.subi %sign3A_57, %sign3A_60 : i32
    %ne3A_62 = arith.cmpi ne, %sign3A_54, %sign3A_61 : i32
    %rem3A_63 = arith.remsi %mul3A_45, %jit3A_46 : i32
    %ne3A_64 = arith.constant 0 : i32
    %ne3A_65 = arith.cmpi ne, %rem3A_63, %ne3A_64 : i32
    %and3A_66 = arith.andi %ne3A_62, %ne3A_65 : i1
    %sub3A_67 = arith.constant 1 : i32
    %sub3A_68 = arith.subi %div3A_47, %sub3A_67 : i32
    %select_n3A_69 = arith.select %and3A_66, %sub3A_68, %div3A_47 : i32
    %sub3A_70 = arith.subi %add3A_42, %select_n3A_69 : i32
    %le3A_71 = arith.constant 18 : i32
    %le3A_72 = arith.cmpi sle, %add3A_2, %le3A_71 : i32
    %select_n3A_73 = arith.select %le3A_72, %add3A_36, %sub3A_70 : i32
    %add3A_74 = vector.broadcast %select_n3A_73 : i32 to vector<16xi32>
    %add3A_75 = arith.addi %add3A_74, %add3A_5 : vector<16xi32>
    %sub3A_76 = vector.broadcast %max3A_7 : i32 to vector<16xi32>
    %sub3A_77 = arith.subi %add3A_75, %sub3A_76 : vector<16xi32>
    %jit3A_78 = arith.constant 0 : i32
    %broadcast_in_dim3A_79 = vector.broadcast %jit3A_78 : i32 to vector<16xi32>
    %select_n3A_80 = arith.select %and3A, %sub3A_77, %broadcast_in_dim3A_79 : vector<16xi1>, vector<16xi32>
    %jit3A_81 = arith.constant 0 : i32
    %jit3A_82 = arith.constant 1038 : i32
    %max3A_83 = vector.broadcast %jit3A_81 : i32 to vector<16xi32>
    %max3A_84 = arith.maxsi %max3A_83, %select_n3A_80 : vector<16xi32>
    %min3A_85 = vector.broadcast %jit3A_82 : i32 to vector<16xi32>
    %min3A_86 = arith.minsi %min3A_85, %max3A_84 : vector<16xi32>
    %iota3A_87 = tpu.iota {dimensions = array<i32: 0>} : vector<16xi32>
    %add3A_88 = arith.constant 16 : i32
    %add3A_89 = vector.broadcast %add3A_88 : i32 to vector<16xi32>
    %add3A_90 = arith.addi %add3A_89, %iota3A_87 : vector<16xi32>
    %sub3A_91 = arith.constant 18 : i32
    %sub3A_92 = arith.subi %sub3A_91, %add3A_2 : i32
    %max3A_93 = arith.constant 0 : i32
    %max3A_94 = arith.maxsi %sub3A_92, %max3A_93 : i32
    %sub3A_95 = arith.constant 54 : i32
    %sub3A_96 = arith.subi %sub3A_95, %add3A_2 : i32
    %min3A_97 = arith.constant 36 : i32
    %min3A_98 = arith.minsi %min3A_97, %sub3A_96 : i32
    %ge3A_99 = vector.broadcast %max3A_94 : i32 to vector<16xi32>
    %ge3A_100 = arith.cmpi sge, %add3A_90, %ge3A_99 : vector<16xi32>
    %le3A_101 = vector.broadcast %min3A_98 : i32 to vector<16xi32>
    %le3A_102 = arith.cmpi sle, %add3A_90, %le3A_101 : vector<16xi32>
    %and3A_103 = arith.andi %ge3A_100, %le3A_102 : vector<16xi1>
    %mul3A_104 = arith.constant 19 : i32
    %mul3A_105 = arith.muli %mul3A_104, %add3A_2 : i32
    %sub3A_106 = arith.constant 1 : i32
    %sub3A_107 = arith.subi %add3A_2, %sub3A_106 : i32
    %mul3A_108 = arith.muli %add3A_2, %sub3A_107 : i32
    %jit3A_109 = arith.constant 2 : i32
    %div3A_110 = arith.divsi %mul3A_108, %jit3A_109 : i32
    %sign3A_111 = arith.constant 0 : i32
    %sign3A_112 = arith.cmpi sgt, %mul3A_108, %sign3A_111 : i32
    %sign3A_113 = arith.extui %sign3A_112 : i1 to i32
    %sign3A_114 = arith.constant 0 : i32
    %sign3A_115 = arith.cmpi slt, %mul3A_108, %sign3A_114 : i32
    %sign3A_116 = arith.extui %sign3A_115 : i1 to i32
    %sign3A_117 = arith.subi %sign3A_113, %sign3A_116 : i32
    %sign3A_118 = arith.constant 0 : i32
    %sign3A_119 = arith.cmpi sgt, %jit3A_109, %sign3A_118 : i32
    %sign3A_120 = arith.extui %sign3A_119 : i1 to i32
    %sign3A_121 = arith.constant 0 : i32
    %sign3A_122 = arith.cmpi slt, %jit3A_109, %sign3A_121 : i32
    %sign3A_123 = arith.extui %sign3A_122 : i1 to i32
    %sign3A_124 = arith.subi %sign3A_120, %sign3A_123 : i32
    %ne3A_125 = arith.cmpi ne, %sign3A_117, %sign3A_124 : i32
    %rem3A_126 = arith.remsi %mul3A_108, %jit3A_109 : i32
    %ne3A_127 = arith.constant 0 : i32
    %ne3A_128 = arith.cmpi ne, %rem3A_126, %ne3A_127 : i32
    %and3A_129 = arith.andi %ne3A_125, %ne3A_128 : i1
    %sub3A_130 = arith.constant 1 : i32
    %sub3A_131 = arith.subi %div3A_110, %sub3A_130 : i32
    %select_n3A_132 = arith.select %and3A_129, %sub3A_131, %div3A_110 : i32
    %add3A_133 = arith.addi %mul3A_105, %select_n3A_132 : i32
    %sub3A_134 = arith.constant 18 : i32
    %sub3A_135 = arith.subi %add3A_2, %sub3A_134 : i32
    %mul3A_136 = arith.constant 37 : i32
    %mul3A_137 = arith.muli %mul3A_136, %sub3A_135 : i32
    %add3A_138 = arith.constant 495 : i32
    %add3A_139 = arith.addi %add3A_138, %mul3A_137 : i32
    %sub3A_140 = arith.constant 1 : i32
    %sub3A_141 = arith.subi %sub3A_135, %sub3A_140 : i32
    %mul3A_142 = arith.muli %sub3A_135, %sub3A_141 : i32
    %jit3A_143 = arith.constant 2 : i32
    %div3A_144 = arith.divsi %mul3A_142, %jit3A_143 : i32
    %sign3A_145 = arith.constant 0 : i32
    %sign3A_146 = arith.cmpi sgt, %mul3A_142, %sign3A_145 : i32
    %sign3A_147 = arith.extui %sign3A_146 : i1 to i32
    %sign3A_148 = arith.constant 0 : i32
    %sign3A_149 = arith.cmpi slt, %mul3A_142, %sign3A_148 : i32
    %sign3A_150 = arith.extui %sign3A_149 : i1 to i32
    %sign3A_151 = arith.subi %sign3A_147, %sign3A_150 : i32
    %sign3A_152 = arith.constant 0 : i32
    %sign3A_153 = arith.cmpi sgt, %jit3A_143, %sign3A_152 : i32
    %sign3A_154 = arith.extui %sign3A_153 : i1 to i32
    %sign3A_155 = arith.constant 0 : i32
    %sign3A_156 = arith.cmpi slt, %jit3A_143, %sign3A_155 : i32
    %sign3A_157 = arith.extui %sign3A_156 : i1 to i32
    %sign3A_158 = arith.subi %sign3A_154, %sign3A_157 : i32
    %ne3A_159 = arith.cmpi ne, %sign3A_151, %sign3A_158 : i32
    %rem3A_160 = arith.remsi %mul3A_142, %jit3A_143 : i32
    %ne3A_161 = arith.constant 0 : i32
    %ne3A_162 = arith.cmpi ne, %rem3A_160, %ne3A_161 : i32
    %and3A_163 = arith.andi %ne3A_159, %ne3A_162 : i1
    %sub3A_164 = arith.constant 1 : i32
    %sub3A_165 = arith.subi %div3A_144, %sub3A_164 : i32
    %select_n3A_166 = arith.select %and3A_163, %sub3A_165, %div3A_144 : i32
    %sub3A_167 = arith.subi %add3A_139, %select_n3A_166 : i32
    %le3A_168 = arith.constant 18 : i32
    %le3A_169 = arith.cmpi sle, %add3A_2, %le3A_168 : i32
    %select_n3A_170 = arith.select %le3A_169, %add3A_133, %sub3A_167 : i32
    %add3A_171 = vector.broadcast %select_n3A_170 : i32 to vector<16xi32>
    %add3A_172 = arith.addi %add3A_171, %add3A_90 : vector<16xi32>
    %sub3A_173 = vector.broadcast %max3A_94 : i32 to vector<16xi32>
    %sub3A_174 = arith.subi %add3A_172, %sub3A_173 : vector<16xi32>
    %jit3A_175 = arith.constant 0 : i32
    %broadcast_in_dim3A_176 = vector.broadcast %jit3A_175 : i32 to vector<16xi32>
    %select_n3A_177 = arith.select %and3A_103, %sub3A_174, %broadcast_in_dim3A_176 : vector<16xi1>, vector<16xi32>
    %jit3A_178 = arith.constant 0 : i32
    %jit3A_179 = arith.constant 1038 : i32
    %max3A_180 = vector.broadcast %jit3A_178 : i32 to vector<16xi32>
    %max3A_181 = arith.maxsi %max3A_180, %select_n3A_177 : vector<16xi32>
    %min3A_182 = vector.broadcast %jit3A_179 : i32 to vector<16xi32>
    %min3A_183 = arith.minsi %min3A_182, %max3A_181 : vector<16xi32>
    %iota3A_184 = tpu.iota {dimensions = array<i32: 0>} : vector<16xi32>
    %add3A_185 = arith.constant 21 : i32
    %add3A_186 = vector.broadcast %add3A_185 : i32 to vector<16xi32>
    %add3A_187 = arith.addi %add3A_186, %iota3A_184 : vector<16xi32>
    %sub3A_188 = arith.constant 18 : i32
    %sub3A_189 = arith.subi %sub3A_188, %add3A_2 : i32
    %max3A_190 = arith.constant 0 : i32
    %max3A_191 = arith.maxsi %sub3A_189, %max3A_190 : i32
    %sub3A_192 = arith.constant 54 : i32
    %sub3A_193 = arith.subi %sub3A_192, %add3A_2 : i32
    %min3A_194 = arith.constant 36 : i32
    %min3A_195 = arith.minsi %min3A_194, %sub3A_193 : i32
    %ge3A_196 = vector.broadcast %max3A_191 : i32 to vector<16xi32>
    %ge3A_197 = arith.cmpi sge, %add3A_187, %ge3A_196 : vector<16xi32>
    %le3A_198 = vector.broadcast %min3A_195 : i32 to vector<16xi32>
    %le3A_199 = arith.cmpi sle, %add3A_187, %le3A_198 : vector<16xi32>
    %and3A_200 = arith.andi %ge3A_197, %le3A_199 : vector<16xi1>
    %mul3A_201 = arith.constant 19 : i32
    %mul3A_202 = arith.muli %mul3A_201, %add3A_2 : i32
    %sub3A_203 = arith.constant 1 : i32
    %sub3A_204 = arith.subi %add3A_2, %sub3A_203 : i32
    %mul3A_205 = arith.muli %add3A_2, %sub3A_204 : i32
    %jit3A_206 = arith.constant 2 : i32
    %div3A_207 = arith.divsi %mul3A_205, %jit3A_206 : i32
    %sign3A_208 = arith.constant 0 : i32
    %sign3A_209 = arith.cmpi sgt, %mul3A_205, %sign3A_208 : i32
    %sign3A_210 = arith.extui %sign3A_209 : i1 to i32
    %sign3A_211 = arith.constant 0 : i32
    %sign3A_212 = arith.cmpi slt, %mul3A_205, %sign3A_211 : i32
    %sign3A_213 = arith.extui %sign3A_212 : i1 to i32
    %sign3A_214 = arith.subi %sign3A_210, %sign3A_213 : i32
    %sign3A_215 = arith.constant 0 : i32
    %sign3A_216 = arith.cmpi sgt, %jit3A_206, %sign3A_215 : i32
    %sign3A_217 = arith.extui %sign3A_216 : i1 to i32
    %sign3A_218 = arith.constant 0 : i32
    %sign3A_219 = arith.cmpi slt, %jit3A_206, %sign3A_218 : i32
    %sign3A_220 = arith.extui %sign3A_219 : i1 to i32
    %sign3A_221 = arith.subi %sign3A_217, %sign3A_220 : i32
    %ne3A_222 = arith.cmpi ne, %sign3A_214, %sign3A_221 : i32
    %rem3A_223 = arith.remsi %mul3A_205, %jit3A_206 : i32
    %ne3A_224 = arith.constant 0 : i32
    %ne3A_225 = arith.cmpi ne, %rem3A_223, %ne3A_224 : i32
    %and3A_226 = arith.andi %ne3A_222, %ne3A_225 : i1
    %sub3A_227 = arith.constant 1 : i32
    %sub3A_228 = arith.subi %div3A_207, %sub3A_227 : i32
    %select_n3A_229 = arith.select %and3A_226, %sub3A_228, %div3A_207 : i32
    %add3A_230 = arith.addi %mul3A_202, %select_n3A_229 : i32
    %sub3A_231 = arith.constant 18 : i32
    %sub3A_232 = arith.subi %add3A_2, %sub3A_231 : i32
    %mul3A_233 = arith.constant 37 : i32
    %mul3A_234 = arith.muli %mul3A_233, %sub3A_232 : i32
    %add3A_235 = arith.constant 495 : i32
    %add3A_236 = arith.addi %add3A_235, %mul3A_234 : i32
    %sub3A_237 = arith.constant 1 : i32
    %sub3A_238 = arith.subi %sub3A_232, %sub3A_237 : i32
    %mul3A_239 = arith.muli %sub3A_232, %sub3A_238 : i32
    %jit3A_240 = arith.constant 2 : i32
    %div3A_241 = arith.divsi %mul3A_239, %jit3A_240 : i32
    %sign3A_242 = arith.constant 0 : i32
    %sign3A_243 = arith.cmpi sgt, %mul3A_239, %sign3A_242 : i32
    %sign3A_244 = arith.extui %sign3A_243 : i1 to i32
    %sign3A_245 = arith.constant 0 : i32
    %sign3A_246 = arith.cmpi slt, %mul3A_239, %sign3A_245 : i32
    %sign3A_247 = arith.extui %sign3A_246 : i1 to i32
    %sign3A_248 = arith.subi %sign3A_244, %sign3A_247 : i32
    %sign3A_249 = arith.constant 0 : i32
    %sign3A_250 = arith.cmpi sgt, %jit3A_240, %sign3A_249 : i32
    %sign3A_251 = arith.extui %sign3A_250 : i1 to i32
    %sign3A_252 = arith.constant 0 : i32
    %sign3A_253 = arith.cmpi slt, %jit3A_240, %sign3A_252 : i32
    %sign3A_254 = arith.extui %sign3A_253 : i1 to i32
    %sign3A_255 = arith.subi %sign3A_251, %sign3A_254 : i32
    %ne3A_256 = arith.cmpi ne, %sign3A_248, %sign3A_255 : i32
    %rem3A_257 = arith.remsi %mul3A_239, %jit3A_240 : i32
    %ne3A_258 = arith.constant 0 : i32
    %ne3A_259 = arith.cmpi ne, %rem3A_257, %ne3A_258 : i32
    %and3A_260 = arith.andi %ne3A_256, %ne3A_259 : i1
    %sub3A_261 = arith.constant 1 : i32
    %sub3A_262 = arith.subi %div3A_241, %sub3A_261 : i32
    %select_n3A_263 = arith.select %and3A_260, %sub3A_262, %div3A_241 : i32
    %sub3A_264 = arith.subi %add3A_236, %select_n3A_263 : i32
    %le3A_265 = arith.constant 18 : i32
    %le3A_266 = arith.cmpi sle, %add3A_2, %le3A_265 : i32
    %select_n3A_267 = arith.select %le3A_266, %add3A_230, %sub3A_264 : i32
    %add3A_268 = vector.broadcast %select_n3A_267 : i32 to vector<16xi32>
    %add3A_269 = arith.addi %add3A_268, %add3A_187 : vector<16xi32>
    %sub3A_270 = vector.broadcast %max3A_191 : i32 to vector<16xi32>
    %sub3A_271 = arith.subi %add3A_269, %sub3A_270 : vector<16xi32>
    %jit3A_272 = arith.constant 0 : i32
    %broadcast_in_dim3A_273 = vector.broadcast %jit3A_272 : i32 to vector<16xi32>
    %select_n3A_274 = arith.select %and3A_200, %sub3A_271, %broadcast_in_dim3A_273 : vector<16xi1>, vector<16xi32>
    %jit3A_275 = arith.constant 0 : i32
    %jit3A_276 = arith.constant 1038 : i32
    %max3A_277 = vector.broadcast %jit3A_275 : i32 to vector<16xi32>
    %max3A_278 = arith.maxsi %max3A_277, %select_n3A_274 : vector<16xi32>
    %min3A_279 = vector.broadcast %jit3A_276 : i32 to vector<16xi32>
    %min3A_280 = arith.minsi %min3A_279, %max3A_278 : vector<16xi32>
    %add3A_281 = arith.constant 1 : i32
    %add3A_282 = arith.addi %mul3A_0, %add3A_281 : i32
    %iota3A_283 = tpu.iota {dimensions = array<i32: 0>} : vector<16xi32>
    %add3A_284 = arith.constant 0 : i32
    %add3A_285 = vector.broadcast %add3A_284 : i32 to vector<16xi32>
    %add3A_286 = arith.addi %add3A_285, %iota3A_283 : vector<16xi32>
    %sub3A_287 = arith.constant 18 : i32
    %sub3A_288 = arith.subi %sub3A_287, %add3A_282 : i32
    %max3A_289 = arith.constant 0 : i32
    %max3A_290 = arith.maxsi %sub3A_288, %max3A_289 : i32
    %sub3A_291 = arith.constant 54 : i32
    %sub3A_292 = arith.subi %sub3A_291, %add3A_282 : i32
    %min3A_293 = arith.constant 36 : i32
    %min3A_294 = arith.minsi %min3A_293, %sub3A_292 : i32
    %ge3A_295 = vector.broadcast %max3A_290 : i32 to vector<16xi32>
    %ge3A_296 = arith.cmpi sge, %add3A_286, %ge3A_295 : vector<16xi32>
    %le3A_297 = vector.broadcast %min3A_294 : i32 to vector<16xi32>
    %le3A_298 = arith.cmpi sle, %add3A_286, %le3A_297 : vector<16xi32>
    %and3A_299 = arith.andi %ge3A_296, %le3A_298 : vector<16xi1>
    %mul3A_300 = arith.constant 19 : i32
    %mul3A_301 = arith.muli %mul3A_300, %add3A_282 : i32
    %sub3A_302 = arith.constant 1 : i32
    %sub3A_303 = arith.subi %add3A_282, %sub3A_302 : i32
    %mul3A_304 = arith.muli %add3A_282, %sub3A_303 : i32
    %jit3A_305 = arith.constant 2 : i32
    %div3A_306 = arith.divsi %mul3A_304, %jit3A_305 : i32
    %sign3A_307 = arith.constant 0 : i32
    %sign3A_308 = arith.cmpi sgt, %mul3A_304, %sign3A_307 : i32
    %sign3A_309 = arith.extui %sign3A_308 : i1 to i32
    %sign3A_310 = arith.constant 0 : i32
    %sign3A_311 = arith.cmpi slt, %mul3A_304, %sign3A_310 : i32
    %sign3A_312 = arith.extui %sign3A_311 : i1 to i32
    %sign3A_313 = arith.subi %sign3A_309, %sign3A_312 : i32
    %sign3A_314 = arith.constant 0 : i32
    %sign3A_315 = arith.cmpi sgt, %jit3A_305, %sign3A_314 : i32
    %sign3A_316 = arith.extui %sign3A_315 : i1 to i32
    %sign3A_317 = arith.constant 0 : i32
    %sign3A_318 = arith.cmpi slt, %jit3A_305, %sign3A_317 : i32
    %sign3A_319 = arith.extui %sign3A_318 : i1 to i32
    %sign3A_320 = arith.subi %sign3A_316, %sign3A_319 : i32
    %ne3A_321 = arith.cmpi ne, %sign3A_313, %sign3A_320 : i32
    %rem3A_322 = arith.remsi %mul3A_304, %jit3A_305 : i32
    %ne3A_323 = arith.constant 0 : i32
    %ne3A_324 = arith.cmpi ne, %rem3A_322, %ne3A_323 : i32
    %and3A_325 = arith.andi %ne3A_321, %ne3A_324 : i1
    %sub3A_326 = arith.constant 1 : i32
    %sub3A_327 = arith.subi %div3A_306, %sub3A_326 : i32
    %select_n3A_328 = arith.select %and3A_325, %sub3A_327, %div3A_306 : i32
    %add3A_329 = arith.addi %mul3A_301, %select_n3A_328 : i32
    %sub3A_330 = arith.constant 18 : i32
    %sub3A_331 = arith.subi %add3A_282, %sub3A_330 : i32
    %mul3A_332 = arith.constant 37 : i32
    %mul3A_333 = arith.muli %mul3A_332, %sub3A_331 : i32
    %add3A_334 = arith.constant 495 : i32
    %add3A_335 = arith.addi %add3A_334, %mul3A_333 : i32
    %sub3A_336 = arith.constant 1 : i32
    %sub3A_337 = arith.subi %sub3A_331, %sub3A_336 : i32
    %mul3A_338 = arith.muli %sub3A_331, %sub3A_337 : i32
    %jit3A_339 = arith.constant 2 : i32
    %div3A_340 = arith.divsi %mul3A_338, %jit3A_339 : i32
    %sign3A_341 = arith.constant 0 : i32
    %sign3A_342 = arith.cmpi sgt, %mul3A_338, %sign3A_341 : i32
    %sign3A_343 = arith.extui %sign3A_342 : i1 to i32
    %sign3A_344 = arith.constant 0 : i32
    %sign3A_345 = arith.cmpi slt, %mul3A_338, %sign3A_344 : i32
    %sign3A_346 = arith.extui %sign3A_345 : i1 to i32
    %sign3A_347 = arith.subi %sign3A_343, %sign3A_346 : i32
    %sign3A_348 = arith.constant 0 : i32
    %sign3A_349 = arith.cmpi sgt, %jit3A_339, %sign3A_348 : i32
    %sign3A_350 = arith.extui %sign3A_349 : i1 to i32
    %sign3A_351 = arith.constant 0 : i32
    %sign3A_352 = arith.cmpi slt, %jit3A_339, %sign3A_351 : i32
    %sign3A_353 = arith.extui %sign3A_352 : i1 to i32
    %sign3A_354 = arith.subi %sign3A_350, %sign3A_353 : i32
    %ne3A_355 = arith.cmpi ne, %sign3A_347, %sign3A_354 : i32
    %rem3A_356 = arith.remsi %mul3A_338, %jit3A_339 : i32
    %ne3A_357 = arith.constant 0 : i32
    %ne3A_358 = arith.cmpi ne, %rem3A_356, %ne3A_357 : i32
    %and3A_359 = arith.andi %ne3A_355, %ne3A_358 : i1
    %sub3A_360 = arith.constant 1 : i32
    %sub3A_361 = arith.subi %div3A_340, %sub3A_360 : i32
    %select_n3A_362 = arith.select %and3A_359, %sub3A_361, %div3A_340 : i32
    %sub3A_363 = arith.subi %add3A_335, %select_n3A_362 : i32
    %le3A_364 = arith.constant 18 : i32
    %le3A_365 = arith.cmpi sle, %add3A_282, %le3A_364 : i32
    %select_n3A_366 = arith.select %le3A_365, %add3A_329, %sub3A_363 : i32
    %add3A_367 = vector.broadcast %select_n3A_366 : i32 to vector<16xi32>
    %add3A_368 = arith.addi %add3A_367, %add3A_286 : vector<16xi32>
    %sub3A_369 = vector.broadcast %max3A_290 : i32 to vector<16xi32>
    %sub3A_370 = arith.subi %add3A_368, %sub3A_369 : vector<16xi32>
    %jit3A_371 = arith.constant 0 : i32
    %broadcast_in_dim3A_372 = vector.broadcast %jit3A_371 : i32 to vector<16xi32>
    %select_n3A_373 = arith.select %and3A_299, %sub3A_370, %broadcast_in_dim3A_372 : vector<16xi1>, vector<16xi32>
    %jit3A_374 = arith.constant 0 : i32
    %jit3A_375 = arith.constant 1038 : i32
    %max3A_376 = vector.broadcast %jit3A_374 : i32 to vector<16xi32>
    %max3A_377 = arith.maxsi %max3A_376, %select_n3A_373 : vector<16xi32>
    %min3A_378 = vector.broadcast %jit3A_375 : i32 to vector<16xi32>
    %min3A_379 = arith.minsi %min3A_378, %max3A_377 : vector<16xi32>
    %iota3A_380 = tpu.iota {dimensions = array<i32: 0>} : vector<16xi32>
    %add3A_381 = arith.constant 16 : i32
    %add3A_382 = vector.broadcast %add3A_381 : i32 to vector<16xi32>
    %add3A_383 = arith.addi %add3A_382, %iota3A_380 : vector<16xi32>
    %sub3A_384 = arith.constant 18 : i32
    %sub3A_385 = arith.subi %sub3A_384, %add3A_282 : i32
    %max3A_386 = arith.constant 0 : i32
    %max3A_387 = arith.maxsi %sub3A_385, %max3A_386 : i32
    %sub3A_388 = arith.constant 54 : i32
    %sub3A_389 = arith.subi %sub3A_388, %add3A_282 : i32
    %min3A_390 = arith.constant 36 : i32
    %min3A_391 = arith.minsi %min3A_390, %sub3A_389 : i32
    %ge3A_392 = vector.broadcast %max3A_387 : i32 to vector<16xi32>
    %ge3A_393 = arith.cmpi sge, %add3A_383, %ge3A_392 : vector<16xi32>
    %le3A_394 = vector.broadcast %min3A_391 : i32 to vector<16xi32>
    %le3A_395 = arith.cmpi sle, %add3A_383, %le3A_394 : vector<16xi32>
    %and3A_396 = arith.andi %ge3A_393, %le3A_395 : vector<16xi1>
    %mul3A_397 = arith.constant 19 : i32
    %mul3A_398 = arith.muli %mul3A_397, %add3A_282 : i32
    %sub3A_399 = arith.constant 1 : i32
    %sub3A_400 = arith.subi %add3A_282, %sub3A_399 : i32
    %mul3A_401 = arith.muli %add3A_282, %sub3A_400 : i32
    %jit3A_402 = arith.constant 2 : i32
    %div3A_403 = arith.divsi %mul3A_401, %jit3A_402 : i32
    %sign3A_404 = arith.constant 0 : i32
    %sign3A_405 = arith.cmpi sgt, %mul3A_401, %sign3A_404 : i32
    %sign3A_406 = arith.extui %sign3A_405 : i1 to i32
    %sign3A_407 = arith.constant 0 : i32
    %sign3A_408 = arith.cmpi slt, %mul3A_401, %sign3A_407 : i32
    %sign3A_409 = arith.extui %sign3A_408 : i1 to i32
    %sign3A_410 = arith.subi %sign3A_406, %sign3A_409 : i32
    %sign3A_411 = arith.constant 0 : i32
    %sign3A_412 = arith.cmpi sgt, %jit3A_402, %sign3A_411 : i32
    %sign3A_413 = arith.extui %sign3A_412 : i1 to i32
    %sign3A_414 = arith.constant 0 : i32
    %sign3A_415 = arith.cmpi slt, %jit3A_402, %sign3A_414 : i32
    %sign3A_416 = arith.extui %sign3A_415 : i1 to i32
    %sign3A_417 = arith.subi %sign3A_413, %sign3A_416 : i32
    %ne3A_418 = arith.cmpi ne, %sign3A_410, %sign3A_417 : i32
    %rem3A_419 = arith.remsi %mul3A_401, %jit3A_402 : i32
    %ne3A_420 = arith.constant 0 : i32
    %ne3A_421 = arith.cmpi ne, %rem3A_419, %ne3A_420 : i32
    %and3A_422 = arith.andi %ne3A_418, %ne3A_421 : i1
    %sub3A_423 = arith.constant 1 : i32
    %sub3A_424 = arith.subi %div3A_403, %sub3A_423 : i32
    %select_n3A_425 = arith.select %and3A_422, %sub3A_424, %div3A_403 : i32
    %add3A_426 = arith.addi %mul3A_398, %select_n3A_425 : i32
    %sub3A_427 = arith.constant 18 : i32
    %sub3A_428 = arith.subi %add3A_282, %sub3A_427 : i32
    %mul3A_429 = arith.constant 37 : i32
    %mul3A_430 = arith.muli %mul3A_429, %sub3A_428 : i32
    %add3A_431 = arith.constant 495 : i32
    %add3A_432 = arith.addi %add3A_431, %mul3A_430 : i32
    %sub3A_433 = arith.constant 1 : i32
    %sub3A_434 = arith.subi %sub3A_428, %sub3A_433 : i32
    %mul3A_435 = arith.muli %sub3A_428, %sub3A_434 : i32
    %jit3A_436 = arith.constant 2 : i32
    %div3A_437 = arith.divsi %mul3A_435, %jit3A_436 : i32
    %sign3A_438 = arith.constant 0 : i32
    %sign3A_439 = arith.cmpi sgt, %mul3A_435, %sign3A_438 : i32
    %sign3A_440 = arith.extui %sign3A_439 : i1 to i32
    %sign3A_441 = arith.constant 0 : i32
    %sign3A_442 = arith.cmpi slt, %mul3A_435, %sign3A_441 : i32
    %sign3A_443 = arith.extui %sign3A_442 : i1 to i32
    %sign3A_444 = arith.subi %sign3A_440, %sign3A_443 : i32
    %sign3A_445 = arith.constant 0 : i32
    %sign3A_446 = arith.cmpi sgt, %jit3A_436, %sign3A_445 : i32
    %sign3A_447 = arith.extui %sign3A_446 : i1 to i32
    %sign3A_448 = arith.constant 0 : i32
    %sign3A_449 = arith.cmpi slt, %jit3A_436, %sign3A_448 : i32
    %sign3A_450 = arith.extui %sign3A_449 : i1 to i32
    %sign3A_451 = arith.subi %sign3A_447, %sign3A_450 : i32
    %ne3A_452 = arith.cmpi ne, %sign3A_444, %sign3A_451 : i32
    %rem3A_453 = arith.remsi %mul3A_435, %jit3A_436 : i32
    %ne3A_454 = arith.constant 0 : i32
    %ne3A_455 = arith.cmpi ne, %rem3A_453, %ne3A_454 : i32
    %and3A_456 = arith.andi %ne3A_452, %ne3A_455 : i1
    %sub3A_457 = arith.constant 1 : i32
    %sub3A_458 = arith.subi %div3A_437, %sub3A_457 : i32
    %select_n3A_459 = arith.select %and3A_456, %sub3A_458, %div3A_437 : i32
    %sub3A_460 = arith.subi %add3A_432, %select_n3A_459 : i32
    %le3A_461 = arith.constant 18 : i32
    %le3A_462 = arith.cmpi sle, %add3A_282, %le3A_461 : i32
    %select_n3A_463 = arith.select %le3A_462, %add3A_426, %sub3A_460 : i32
    %add3A_464 = vector.broadcast %select_n3A_463 : i32 to vector<16xi32>
    %add3A_465 = arith.addi %add3A_464, %add3A_383 : vector<16xi32>
    %sub3A_466 = vector.broadcast %max3A_387 : i32 to vector<16xi32>
    %sub3A_467 = arith.subi %add3A_465, %sub3A_466 : vector<16xi32>
    %jit3A_468 = arith.constant 0 : i32
    %broadcast_in_dim3A_469 = vector.broadcast %jit3A_468 : i32 to vector<16xi32>
    %select_n3A_470 = arith.select %and3A_396, %sub3A_467, %broadcast_in_dim3A_469 : vector<16xi1>, vector<16xi32>
    %jit3A_471 = arith.constant 0 : i32
    %jit3A_472 = arith.constant 1038 : i32
    %max3A_473 = vector.broadcast %jit3A_471 : i32 to vector<16xi32>
    %max3A_474 = arith.maxsi %max3A_473, %select_n3A_470 : vector<16xi32>
    %min3A_475 = vector.broadcast %jit3A_472 : i32 to vector<16xi32>
    %min3A_476 = arith.minsi %min3A_475, %max3A_474 : vector<16xi32>
    %iota3A_477 = tpu.iota {dimensions = array<i32: 0>} : vector<16xi32>
    %add3A_478 = arith.constant 21 : i32
    %add3A_479 = vector.broadcast %add3A_478 : i32 to vector<16xi32>
    %add3A_480 = arith.addi %add3A_479, %iota3A_477 : vector<16xi32>
    %sub3A_481 = arith.constant 18 : i32
    %sub3A_482 = arith.subi %sub3A_481, %add3A_282 : i32
    %max3A_483 = arith.constant 0 : i32
    %max3A_484 = arith.maxsi %sub3A_482, %max3A_483 : i32
    %sub3A_485 = arith.constant 54 : i32
    %sub3A_486 = arith.subi %sub3A_485, %add3A_282 : i32
    %min3A_487 = arith.constant 36 : i32
    %min3A_488 = arith.minsi %min3A_487, %sub3A_486 : i32
    %ge3A_489 = vector.broadcast %max3A_484 : i32 to vector<16xi32>
    %ge3A_490 = arith.cmpi sge, %add3A_480, %ge3A_489 : vector<16xi32>
    %le3A_491 = vector.broadcast %min3A_488 : i32 to vector<16xi32>
    %le3A_492 = arith.cmpi sle, %add3A_480, %le3A_491 : vector<16xi32>
    %and3A_493 = arith.andi %ge3A_490, %le3A_492 : vector<16xi1>
    %mul3A_494 = arith.constant 19 : i32
    %mul3A_495 = arith.muli %mul3A_494, %add3A_282 : i32
    %sub3A_496 = arith.constant 1 : i32
    %sub3A_497 = arith.subi %add3A_282, %sub3A_496 : i32
    %mul3A_498 = arith.muli %add3A_282, %sub3A_497 : i32
    %jit3A_499 = arith.constant 2 : i32
    %div3A_500 = arith.divsi %mul3A_498, %jit3A_499 : i32
    %sign3A_501 = arith.constant 0 : i32
    %sign3A_502 = arith.cmpi sgt, %mul3A_498, %sign3A_501 : i32
    %sign3A_503 = arith.extui %sign3A_502 : i1 to i32
    %sign3A_504 = arith.constant 0 : i32
    %sign3A_505 = arith.cmpi slt, %mul3A_498, %sign3A_504 : i32
    %sign3A_506 = arith.extui %sign3A_505 : i1 to i32
    %sign3A_507 = arith.subi %sign3A_503, %sign3A_506 : i32
    %sign3A_508 = arith.constant 0 : i32
    %sign3A_509 = arith.cmpi sgt, %jit3A_499, %sign3A_508 : i32
    %sign3A_510 = arith.extui %sign3A_509 : i1 to i32
    %sign3A_511 = arith.constant 0 : i32
    %sign3A_512 = arith.cmpi slt, %jit3A_499, %sign3A_511 : i32
    %sign3A_513 = arith.extui %sign3A_512 : i1 to i32
    %sign3A_514 = arith.subi %sign3A_510, %sign3A_513 : i32
    %ne3A_515 = arith.cmpi ne, %sign3A_507, %sign3A_514 : i32
    %rem3A_516 = arith.remsi %mul3A_498, %jit3A_499 : i32
    %ne3A_517 = arith.constant 0 : i32
    %ne3A_518 = arith.cmpi ne, %rem3A_516, %ne3A_517 : i32
    %and3A_519 = arith.andi %ne3A_515, %ne3A_518 : i1
    %sub3A_520 = arith.constant 1 : i32
    %sub3A_521 = arith.subi %div3A_500, %sub3A_520 : i32
    %select_n3A_522 = arith.select %and3A_519, %sub3A_521, %div3A_500 : i32
    %add3A_523 = arith.addi %mul3A_495, %select_n3A_522 : i32
    %sub3A_524 = arith.constant 18 : i32
    %sub3A_525 = arith.subi %add3A_282, %sub3A_524 : i32
    %mul3A_526 = arith.constant 37 : i32
    %mul3A_527 = arith.muli %mul3A_526, %sub3A_525 : i32
    %add3A_528 = arith.constant 495 : i32
    %add3A_529 = arith.addi %add3A_528, %mul3A_527 : i32
    %sub3A_530 = arith.constant 1 : i32
    %sub3A_531 = arith.subi %sub3A_525, %sub3A_530 : i32
    %mul3A_532 = arith.muli %sub3A_525, %sub3A_531 : i32
    %jit3A_533 = arith.constant 2 : i32
    %div3A_534 = arith.divsi %mul3A_532, %jit3A_533 : i32
    %sign3A_535 = arith.constant 0 : i32
    %sign3A_536 = arith.cmpi sgt, %mul3A_532, %sign3A_535 : i32
    %sign3A_537 = arith.extui %sign3A_536 : i1 to i32
    %sign3A_538 = arith.constant 0 : i32
    %sign3A_539 = arith.cmpi slt, %mul3A_532, %sign3A_538 : i32
    %sign3A_540 = arith.extui %sign3A_539 : i1 to i32
    %sign3A_541 = arith.subi %sign3A_537, %sign3A_540 : i32
    %sign3A_542 = arith.constant 0 : i32
    %sign3A_543 = arith.cmpi sgt, %jit3A_533, %sign3A_542 : i32
    %sign3A_544 = arith.extui %sign3A_543 : i1 to i32
    %sign3A_545 = arith.constant 0 : i32
    %sign3A_546 = arith.cmpi slt, %jit3A_533, %sign3A_545 : i32
    %sign3A_547 = arith.extui %sign3A_546 : i1 to i32
    %sign3A_548 = arith.subi %sign3A_544, %sign3A_547 : i32
    %ne3A_549 = arith.cmpi ne, %sign3A_541, %sign3A_548 : i32
    %rem3A_550 = arith.remsi %mul3A_532, %jit3A_533 : i32
    %ne3A_551 = arith.constant 0 : i32
    %ne3A_552 = arith.cmpi ne, %rem3A_550, %ne3A_551 : i32
    %and3A_553 = arith.andi %ne3A_549, %ne3A_552 : i1
    %sub3A_554 = arith.constant 1 : i32
    %sub3A_555 = arith.subi %div3A_534, %sub3A_554 : i32
    %select_n3A_556 = arith.select %and3A_553, %sub3A_555, %div3A_534 : i32
    %sub3A_557 = arith.subi %add3A_529, %select_n3A_556 : i32
    %le3A_558 = arith.constant 18 : i32
    %le3A_559 = arith.cmpi sle, %add3A_282, %le3A_558 : i32
    %select_n3A_560 = arith.select %le3A_559, %add3A_523, %sub3A_557 : i32
    %add3A_561 = vector.broadcast %select_n3A_560 : i32 to vector<16xi32>
    %add3A_562 = arith.addi %add3A_561, %add3A_480 : vector<16xi32>
    %sub3A_563 = vector.broadcast %max3A_484 : i32 to vector<16xi32>
    %sub3A_564 = arith.subi %add3A_562, %sub3A_563 : vector<16xi32>
    %jit3A_565 = arith.constant 0 : i32
    %broadcast_in_dim3A_566 = vector.broadcast %jit3A_565 : i32 to vector<16xi32>
    %select_n3A_567 = arith.select %and3A_493, %sub3A_564, %broadcast_in_dim3A_566 : vector<16xi1>, vector<16xi32>
    %jit3A_568 = arith.constant 0 : i32
    %jit3A_569 = arith.constant 1038 : i32
    %max3A_570 = vector.broadcast %jit3A_568 : i32 to vector<16xi32>
    %max3A_571 = arith.maxsi %max3A_570, %select_n3A_567 : vector<16xi32>
    %min3A_572 = vector.broadcast %jit3A_569 : i32 to vector<16xi32>
    %min3A_573 = arith.minsi %min3A_572, %max3A_571 : vector<16xi32>
    %add3A_574 = arith.constant 2 : i32
    %add3A_575 = arith.addi %mul3A_0, %add3A_574 : i32
    %iota3A_576 = tpu.iota {dimensions = array<i32: 0>} : vector<16xi32>
    %add3A_577 = arith.constant 0 : i32
    %add3A_578 = vector.broadcast %add3A_577 : i32 to vector<16xi32>
    %add3A_579 = arith.addi %add3A_578, %iota3A_576 : vector<16xi32>
    %sub3A_580 = arith.constant 18 : i32
    %sub3A_581 = arith.subi %sub3A_580, %add3A_575 : i32
    %max3A_582 = arith.constant 0 : i32
    %max3A_583 = arith.maxsi %sub3A_581, %max3A_582 : i32
    %sub3A_584 = arith.constant 54 : i32
    %sub3A_585 = arith.subi %sub3A_584, %add3A_575 : i32
    %min3A_586 = arith.constant 36 : i32
    %min3A_587 = arith.minsi %min3A_586, %sub3A_585 : i32
    %ge3A_588 = vector.broadcast %max3A_583 : i32 to vector<16xi32>
    %ge3A_589 = arith.cmpi sge, %add3A_579, %ge3A_588 : vector<16xi32>
    %le3A_590 = vector.broadcast %min3A_587 : i32 to vector<16xi32>
    %le3A_591 = arith.cmpi sle, %add3A_579, %le3A_590 : vector<16xi32>
    %and3A_592 = arith.andi %ge3A_589, %le3A_591 : vector<16xi1>
    %mul3A_593 = arith.constant 19 : i32
    %mul3A_594 = arith.muli %mul3A_593, %add3A_575 : i32
    %sub3A_595 = arith.constant 1 : i32
    %sub3A_596 = arith.subi %add3A_575, %sub3A_595 : i32
    %mul3A_597 = arith.muli %add3A_575, %sub3A_596 : i32
    %jit3A_598 = arith.constant 2 : i32
    %div3A_599 = arith.divsi %mul3A_597, %jit3A_598 : i32
    %sign3A_600 = arith.constant 0 : i32
    %sign3A_601 = arith.cmpi sgt, %mul3A_597, %sign3A_600 : i32
    %sign3A_602 = arith.extui %sign3A_601 : i1 to i32
    %sign3A_603 = arith.constant 0 : i32
    %sign3A_604 = arith.cmpi slt, %mul3A_597, %sign3A_603 : i32
    %sign3A_605 = arith.extui %sign3A_604 : i1 to i32
    %sign3A_606 = arith.subi %sign3A_602, %sign3A_605 : i32
    %sign3A_607 = arith.constant 0 : i32
    %sign3A_608 = arith.cmpi sgt, %jit3A_598, %sign3A_607 : i32
    %sign3A_609 = arith.extui %sign3A_608 : i1 to i32
    %sign3A_610 = arith.constant 0 : i32
    %sign3A_611 = arith.cmpi slt, %jit3A_598, %sign3A_610 : i32
    %sign3A_612 = arith.extui %sign3A_611 : i1 to i32
    %sign3A_613 = arith.subi %sign3A_609, %sign3A_612 : i32
    %ne3A_614 = arith.cmpi ne, %sign3A_606, %sign3A_613 : i32
    %rem3A_615 = arith.remsi %mul3A_597, %jit3A_598 : i32
    %ne3A_616 = arith.constant 0 : i32
    %ne3A_617 = arith.cmpi ne, %rem3A_615, %ne3A_616 : i32
    %and3A_618 = arith.andi %ne3A_614, %ne3A_617 : i1
    %sub3A_619 = arith.constant 1 : i32
    %sub3A_620 = arith.subi %div3A_599, %sub3A_619 : i32
    %select_n3A_621 = arith.select %and3A_618, %sub3A_620, %div3A_599 : i32
    %add3A_622 = arith.addi %mul3A_594, %select_n3A_621 : i32
    %sub3A_623 = arith.constant 18 : i32
    %sub3A_624 = arith.subi %add3A_575, %sub3A_623 : i32
    %mul3A_625 = arith.constant 37 : i32
    %mul3A_626 = arith.muli %mul3A_625, %sub3A_624 : i32
    %add3A_627 = arith.constant 495 : i32
    %add3A_628 = arith.addi %add3A_627, %mul3A_626 : i32
    %sub3A_629 = arith.constant 1 : i32
    %sub3A_630 = arith.subi %sub3A_624, %sub3A_629 : i32
    %mul3A_631 = arith.muli %sub3A_624, %sub3A_630 : i32
    %jit3A_632 = arith.constant 2 : i32
    %div3A_633 = arith.divsi %mul3A_631, %jit3A_632 : i32
    %sign3A_634 = arith.constant 0 : i32
    %sign3A_635 = arith.cmpi sgt, %mul3A_631, %sign3A_634 : i32
    %sign3A_636 = arith.extui %sign3A_635 : i1 to i32
    %sign3A_637 = arith.constant 0 : i32
    %sign3A_638 = arith.cmpi slt, %mul3A_631, %sign3A_637 : i32
    %sign3A_639 = arith.extui %sign3A_638 : i1 to i32
    %sign3A_640 = arith.subi %sign3A_636, %sign3A_639 : i32
    %sign3A_641 = arith.constant 0 : i32
    %sign3A_642 = arith.cmpi sgt, %jit3A_632, %sign3A_641 : i32
    %sign3A_643 = arith.extui %sign3A_642 : i1 to i32
    %sign3A_644 = arith.constant 0 : i32
    %sign3A_645 = arith.cmpi slt, %jit3A_632, %sign3A_644 : i32
    %sign3A_646 = arith.extui %sign3A_645 : i1 to i32
    %sign3A_647 = arith.subi %sign3A_643, %sign3A_646 : i32
    %ne3A_648 = arith.cmpi ne, %sign3A_640, %sign3A_647 : i32
    %rem3A_649 = arith.remsi %mul3A_631, %jit3A_632 : i32
    %ne3A_650 = arith.constant 0 : i32
    %ne3A_651 = arith.cmpi ne, %rem3A_649, %ne3A_650 : i32
    %and3A_652 = arith.andi %ne3A_648, %ne3A_651 : i1
    %sub3A_653 = arith.constant 1 : i32
    %sub3A_654 = arith.subi %div3A_633, %sub3A_653 : i32
    %select_n3A_655 = arith.select %and3A_652, %sub3A_654, %div3A_633 : i32
    %sub3A_656 = arith.subi %add3A_628, %select_n3A_655 : i32
    %le3A_657 = arith.constant 18 : i32
    %le3A_658 = arith.cmpi sle, %add3A_575, %le3A_657 : i32
    %select_n3A_659 = arith.select %le3A_658, %add3A_622, %sub3A_656 : i32
    %add3A_660 = vector.broadcast %select_n3A_659 : i32 to vector<16xi32>
    %add3A_661 = arith.addi %add3A_660, %add3A_579 : vector<16xi32>
    %sub3A_662 = vector.broadcast %max3A_583 : i32 to vector<16xi32>
    %sub3A_663 = arith.subi %add3A_661, %sub3A_662 : vector<16xi32>
    %jit3A_664 = arith.constant 0 : i32
    %broadcast_in_dim3A_665 = vector.broadcast %jit3A_664 : i32 to vector<16xi32>
    %select_n3A_666 = arith.select %and3A_592, %sub3A_663, %broadcast_in_dim3A_665 : vector<16xi1>, vector<16xi32>
    %jit3A_667 = arith.constant 0 : i32
    %jit3A_668 = arith.constant 1038 : i32
    %max3A_669 = vector.broadcast %jit3A_667 : i32 to vector<16xi32>
    %max3A_670 = arith.maxsi %max3A_669, %select_n3A_666 : vector<16xi32>
    %min3A_671 = vector.broadcast %jit3A_668 : i32 to vector<16xi32>
    %min3A_672 = arith.minsi %min3A_671, %max3A_670 : vector<16xi32>
    %iota3A_673 = tpu.iota {dimensions = array<i32: 0>} : vector<16xi32>
    %add3A_674 = arith.constant 16 : i32
    %add3A_675 = vector.broadcast %add3A_674 : i32 to vector<16xi32>
    %add3A_676 = arith.addi %add3A_675, %iota3A_673 : vector<16xi32>
    %sub3A_677 = arith.constant 18 : i32
    %sub3A_678 = arith.subi %sub3A_677, %add3A_575 : i32
    %max3A_679 = arith.constant 0 : i32
    %max3A_680 = arith.maxsi %sub3A_678, %max3A_679 : i32
    %sub3A_681 = arith.constant 54 : i32
    %sub3A_682 = arith.subi %sub3A_681, %add3A_575 : i32
    %min3A_683 = arith.constant 36 : i32
    %min3A_684 = arith.minsi %min3A_683, %sub3A_682 : i32
    %ge3A_685 = vector.broadcast %max3A_680 : i32 to vector<16xi32>
    %ge3A_686 = arith.cmpi sge, %add3A_676, %ge3A_685 : vector<16xi32>
    %le3A_687 = vector.broadcast %min3A_684 : i32 to vector<16xi32>
    %le3A_688 = arith.cmpi sle, %add3A_676, %le3A_687 : vector<16xi32>
    %and3A_689 = arith.andi %ge3A_686, %le3A_688 : vector<16xi1>
    %mul3A_690 = arith.constant 19 : i32
    %mul3A_691 = arith.muli %mul3A_690, %add3A_575 : i32
    %sub3A_692 = arith.constant 1 : i32
    %sub3A_693 = arith.subi %add3A_575, %sub3A_692 : i32
    %mul3A_694 = arith.muli %add3A_575, %sub3A_693 : i32
    %jit3A_695 = arith.constant 2 : i32
    %div3A_696 = arith.divsi %mul3A_694, %jit3A_695 : i32
    %sign3A_697 = arith.constant 0 : i32
    %sign3A_698 = arith.cmpi sgt, %mul3A_694, %sign3A_697 : i32
    %sign3A_699 = arith.extui %sign3A_698 : i1 to i32
    %sign3A_700 = arith.constant 0 : i32
    %sign3A_701 = arith.cmpi slt, %mul3A_694, %sign3A_700 : i32
    %sign3A_702 = arith.extui %sign3A_701 : i1 to i32
    %sign3A_703 = arith.subi %sign3A_699, %sign3A_702 : i32
    %sign3A_704 = arith.constant 0 : i32
    %sign3A_705 = arith.cmpi sgt, %jit3A_695, %sign3A_704 : i32
    %sign3A_706 = arith.extui %sign3A_705 : i1 to i32
    %sign3A_707 = arith.constant 0 : i32
    %sign3A_708 = arith.cmpi slt, %jit3A_695, %sign3A_707 : i32
    %sign3A_709 = arith.extui %sign3A_708 : i1 to i32
    %sign3A_710 = arith.subi %sign3A_706, %sign3A_709 : i32
    %ne3A_711 = arith.cmpi ne, %sign3A_703, %sign3A_710 : i32
    %rem3A_712 = arith.remsi %mul3A_694, %jit3A_695 : i32
    %ne3A_713 = arith.constant 0 : i32
    %ne3A_714 = arith.cmpi ne, %rem3A_712, %ne3A_713 : i32
    %and3A_715 = arith.andi %ne3A_711, %ne3A_714 : i1
    %sub3A_716 = arith.constant 1 : i32
    %sub3A_717 = arith.subi %div3A_696, %sub3A_716 : i32
    %select_n3A_718 = arith.select %and3A_715, %sub3A_717, %div3A_696 : i32
    %add3A_719 = arith.addi %mul3A_691, %select_n3A_718 : i32
    %sub3A_720 = arith.constant 18 : i32
    %sub3A_721 = arith.subi %add3A_575, %sub3A_720 : i32
    %mul3A_722 = arith.constant 37 : i32
    %mul3A_723 = arith.muli %mul3A_722, %sub3A_721 : i32
    %add3A_724 = arith.constant 495 : i32
    %add3A_725 = arith.addi %add3A_724, %mul3A_723 : i32
    %sub3A_726 = arith.constant 1 : i32
    %sub3A_727 = arith.subi %sub3A_721, %sub3A_726 : i32
    %mul3A_728 = arith.muli %sub3A_721, %sub3A_727 : i32
    %jit3A_729 = arith.constant 2 : i32
    %div3A_730 = arith.divsi %mul3A_728, %jit3A_729 : i32
    %sign3A_731 = arith.constant 0 : i32
    %sign3A_732 = arith.cmpi sgt, %mul3A_728, %sign3A_731 : i32
    %sign3A_733 = arith.extui %sign3A_732 : i1 to i32
    %sign3A_734 = arith.constant 0 : i32
    %sign3A_735 = arith.cmpi slt, %mul3A_728, %sign3A_734 : i32
    %sign3A_736 = arith.extui %sign3A_735 : i1 to i32
    %sign3A_737 = arith.subi %sign3A_733, %sign3A_736 : i32
    %sign3A_738 = arith.constant 0 : i32
    %sign3A_739 = arith.cmpi sgt, %jit3A_729, %sign3A_738 : i32
    %sign3A_740 = arith.extui %sign3A_739 : i1 to i32
    %sign3A_741 = arith.constant 0 : i32
    %sign3A_742 = arith.cmpi slt, %jit3A_729, %sign3A_741 : i32
    %sign3A_743 = arith.extui %sign3A_742 : i1 to i32
    %sign3A_744 = arith.subi %sign3A_740, %sign3A_743 : i32
    %ne3A_745 = arith.cmpi ne, %sign3A_737, %sign3A_744 : i32
    %rem3A_746 = arith.remsi %mul3A_728, %jit3A_729 : i32
    %ne3A_747 = arith.constant 0 : i32
    %ne3A_748 = arith.cmpi ne, %rem3A_746, %ne3A_747 : i32
    %and3A_749 = arith.andi %ne3A_745, %ne3A_748 : i1
    %sub3A_750 = arith.constant 1 : i32
    %sub3A_751 = arith.subi %div3A_730, %sub3A_750 : i32
    %select_n3A_752 = arith.select %and3A_749, %sub3A_751, %div3A_730 : i32
    %sub3A_753 = arith.subi %add3A_725, %select_n3A_752 : i32
    %le3A_754 = arith.constant 18 : i32
    %le3A_755 = arith.cmpi sle, %add3A_575, %le3A_754 : i32
    %select_n3A_756 = arith.select %le3A_755, %add3A_719, %sub3A_753 : i32
    %add3A_757 = vector.broadcast %select_n3A_756 : i32 to vector<16xi32>
    %add3A_758 = arith.addi %add3A_757, %add3A_676 : vector<16xi32>
    %sub3A_759 = vector.broadcast %max3A_680 : i32 to vector<16xi32>
    %sub3A_760 = arith.subi %add3A_758, %sub3A_759 : vector<16xi32>
    %jit3A_761 = arith.constant 0 : i32
    %broadcast_in_dim3A_762 = vector.broadcast %jit3A_761 : i32 to vector<16xi32>
    %select_n3A_763 = arith.select %and3A_689, %sub3A_760, %broadcast_in_dim3A_762 : vector<16xi1>, vector<16xi32>
    %jit3A_764 = arith.constant 0 : i32
    %jit3A_765 = arith.constant 1038 : i32
    %max3A_766 = vector.broadcast %jit3A_764 : i32 to vector<16xi32>
    %max3A_767 = arith.maxsi %max3A_766, %select_n3A_763 : vector<16xi32>
    %min3A_768 = vector.broadcast %jit3A_765 : i32 to vector<16xi32>
    %min3A_769 = arith.minsi %min3A_768, %max3A_767 : vector<16xi32>
    %iota3A_770 = tpu.iota {dimensions = array<i32: 0>} : vector<16xi32>
    %add3A_771 = arith.constant 21 : i32
    %add3A_772 = vector.broadcast %add3A_771 : i32 to vector<16xi32>
    %add3A_773 = arith.addi %add3A_772, %iota3A_770 : vector<16xi32>
    %sub3A_774 = arith.constant 18 : i32
    %sub3A_775 = arith.subi %sub3A_774, %add3A_575 : i32
    %max3A_776 = arith.constant 0 : i32
    %max3A_777 = arith.maxsi %sub3A_775, %max3A_776 : i32
    %sub3A_778 = arith.constant 54 : i32
    %sub3A_779 = arith.subi %sub3A_778, %add3A_575 : i32
    %min3A_780 = arith.constant 36 : i32
    %min3A_781 = arith.minsi %min3A_780, %sub3A_779 : i32
    %ge3A_782 = vector.broadcast %max3A_777 : i32 to vector<16xi32>
    %ge3A_783 = arith.cmpi sge, %add3A_773, %ge3A_782 : vector<16xi32>
    %le3A_784 = vector.broadcast %min3A_781 : i32 to vector<16xi32>
    %le3A_785 = arith.cmpi sle, %add3A_773, %le3A_784 : vector<16xi32>
    %and3A_786 = arith.andi %ge3A_783, %le3A_785 : vector<16xi1>
    %mul3A_787 = arith.constant 19 : i32
    %mul3A_788 = arith.muli %mul3A_787, %add3A_575 : i32
    %sub3A_789 = arith.constant 1 : i32
    %sub3A_790 = arith.subi %add3A_575, %sub3A_789 : i32
    %mul3A_791 = arith.muli %add3A_575, %sub3A_790 : i32
    %jit3A_792 = arith.constant 2 : i32
    %div3A_793 = arith.divsi %mul3A_791, %jit3A_792 : i32
    %sign3A_794 = arith.constant 0 : i32
    %sign3A_795 = arith.cmpi sgt, %mul3A_791, %sign3A_794 : i32
    %sign3A_796 = arith.extui %sign3A_795 : i1 to i32
    %sign3A_797 = arith.constant 0 : i32
    %sign3A_798 = arith.cmpi slt, %mul3A_791, %sign3A_797 : i32
    %sign3A_799 = arith.extui %sign3A_798 : i1 to i32
    %sign3A_800 = arith.subi %sign3A_796, %sign3A_799 : i32
    %sign3A_801 = arith.constant 0 : i32
    %sign3A_802 = arith.cmpi sgt, %jit3A_792, %sign3A_801 : i32
    %sign3A_803 = arith.extui %sign3A_802 : i1 to i32
    %sign3A_804 = arith.constant 0 : i32
    %sign3A_805 = arith.cmpi slt, %jit3A_792, %sign3A_804 : i32
    %sign3A_806 = arith.extui %sign3A_805 : i1 to i32
    %sign3A_807 = arith.subi %sign3A_803, %sign3A_806 : i32
    %ne3A_808 = arith.cmpi ne, %sign3A_800, %sign3A_807 : i32
    %rem3A_809 = arith.remsi %mul3A_791, %jit3A_792 : i32
    %ne3A_810 = arith.constant 0 : i32
    %ne3A_811 = arith.cmpi ne, %rem3A_809, %ne3A_810 : i32
    %and3A_812 = arith.andi %ne3A_808, %ne3A_811 : i1
    %sub3A_813 = arith.constant 1 : i32
    %sub3A_814 = arith.subi %div3A_793, %sub3A_813 : i32
    %select_n3A_815 = arith.select %and3A_812, %sub3A_814, %div3A_793 : i32
    %add3A_816 = arith.addi %mul3A_788, %select_n3A_815 : i32
    %sub3A_817 = arith.constant 18 : i32
    %sub3A_818 = arith.subi %add3A_575, %sub3A_817 : i32
    %mul3A_819 = arith.constant 37 : i32
    %mul3A_820 = arith.muli %mul3A_819, %sub3A_818 : i32
    %add3A_821 = arith.constant 495 : i32
    %add3A_822 = arith.addi %add3A_821, %mul3A_820 : i32
    %sub3A_823 = arith.constant 1 : i32
    %sub3A_824 = arith.subi %sub3A_818, %sub3A_823 : i32
    %mul3A_825 = arith.muli %sub3A_818, %sub3A_824 : i32
    %jit3A_826 = arith.constant 2 : i32
    %div3A_827 = arith.divsi %mul3A_825, %jit3A_826 : i32
    %sign3A_828 = arith.constant 0 : i32
    %sign3A_829 = arith.cmpi sgt, %mul3A_825, %sign3A_828 : i32
    %sign3A_830 = arith.extui %sign3A_829 : i1 to i32
    %sign3A_831 = arith.constant 0 : i32
    %sign3A_832 = arith.cmpi slt, %mul3A_825, %sign3A_831 : i32
    %sign3A_833 = arith.extui %sign3A_832 : i1 to i32
    %sign3A_834 = arith.subi %sign3A_830, %sign3A_833 : i32
    %sign3A_835 = arith.constant 0 : i32
    %sign3A_836 = arith.cmpi sgt, %jit3A_826, %sign3A_835 : i32
    %sign3A_837 = arith.extui %sign3A_836 : i1 to i32
    %sign3A_838 = arith.constant 0 : i32
    %sign3A_839 = arith.cmpi slt, %jit3A_826, %sign3A_838 : i32
    %sign3A_840 = arith.extui %sign3A_839 : i1 to i32
    %sign3A_841 = arith.subi %sign3A_837, %sign3A_840 : i32
    %ne3A_842 = arith.cmpi ne, %sign3A_834, %sign3A_841 : i32
    %rem3A_843 = arith.remsi %mul3A_825, %jit3A_826 : i32
    %ne3A_844 = arith.constant 0 : i32
    %ne3A_845 = arith.cmpi ne, %rem3A_843, %ne3A_844 : i32
    %and3A_846 = arith.andi %ne3A_842, %ne3A_845 : i1
    %sub3A_847 = arith.constant 1 : i32
    %sub3A_848 = arith.subi %div3A_827, %sub3A_847 : i32
    %select_n3A_849 = arith.select %and3A_846, %sub3A_848, %div3A_827 : i32
    %sub3A_850 = arith.subi %add3A_822, %select_n3A_849 : i32
    %le3A_851 = arith.constant 18 : i32
    %le3A_852 = arith.cmpi sle, %add3A_575, %le3A_851 : i32
    %select_n3A_853 = arith.select %le3A_852, %add3A_816, %sub3A_850 : i32
    %add3A_854 = vector.broadcast %select_n3A_853 : i32 to vector<16xi32>
    %add3A_855 = arith.addi %add3A_854, %add3A_773 : vector<16xi32>
    %sub3A_856 = vector.broadcast %max3A_777 : i32 to vector<16xi32>
    %sub3A_857 = arith.subi %add3A_855, %sub3A_856 : vector<16xi32>
    %jit3A_858 = arith.constant 0 : i32
    %broadcast_in_dim3A_859 = vector.broadcast %jit3A_858 : i32 to vector<16xi32>
    %select_n3A_860 = arith.select %and3A_786, %sub3A_857, %broadcast_in_dim3A_859 : vector<16xi1>, vector<16xi32>
    %jit3A_861 = arith.constant 0 : i32
    %jit3A_862 = arith.constant 1038 : i32
    %max3A_863 = vector.broadcast %jit3A_861 : i32 to vector<16xi32>
    %max3A_864 = arith.maxsi %max3A_863, %select_n3A_860 : vector<16xi32>
    %min3A_865 = vector.broadcast %jit3A_862 : i32 to vector<16xi32>
    %min3A_866 = arith.minsi %min3A_865, %max3A_864 : vector<16xi32>
    %add3A_867 = arith.constant 3 : i32
    %add3A_868 = arith.addi %mul3A_0, %add3A_867 : i32
    %iota3A_869 = tpu.iota {dimensions = array<i32: 0>} : vector<16xi32>
    %add3A_870 = arith.constant 0 : i32
    %add3A_871 = vector.broadcast %add3A_870 : i32 to vector<16xi32>
    %add3A_872 = arith.addi %add3A_871, %iota3A_869 : vector<16xi32>
    %sub3A_873 = arith.constant 18 : i32
    %sub3A_874 = arith.subi %sub3A_873, %add3A_868 : i32
    %max3A_875 = arith.constant 0 : i32
    %max3A_876 = arith.maxsi %sub3A_874, %max3A_875 : i32
    %sub3A_877 = arith.constant 54 : i32
    %sub3A_878 = arith.subi %sub3A_877, %add3A_868 : i32
    %min3A_879 = arith.constant 36 : i32
    %min3A_880 = arith.minsi %min3A_879, %sub3A_878 : i32
    %ge3A_881 = vector.broadcast %max3A_876 : i32 to vector<16xi32>
    %ge3A_882 = arith.cmpi sge, %add3A_872, %ge3A_881 : vector<16xi32>
    %le3A_883 = vector.broadcast %min3A_880 : i32 to vector<16xi32>
    %le3A_884 = arith.cmpi sle, %add3A_872, %le3A_883 : vector<16xi32>
    %and3A_885 = arith.andi %ge3A_882, %le3A_884 : vector<16xi1>
    %mul3A_886 = arith.constant 19 : i32
    %mul3A_887 = arith.muli %mul3A_886, %add3A_868 : i32
    %sub3A_888 = arith.constant 1 : i32
    %sub3A_889 = arith.subi %add3A_868, %sub3A_888 : i32
    %mul3A_890 = arith.muli %add3A_868, %sub3A_889 : i32
    %jit3A_891 = arith.constant 2 : i32
    %div3A_892 = arith.divsi %mul3A_890, %jit3A_891 : i32
    %sign3A_893 = arith.constant 0 : i32
    %sign3A_894 = arith.cmpi sgt, %mul3A_890, %sign3A_893 : i32
    %sign3A_895 = arith.extui %sign3A_894 : i1 to i32
    %sign3A_896 = arith.constant 0 : i32
    %sign3A_897 = arith.cmpi slt, %mul3A_890, %sign3A_896 : i32
    %sign3A_898 = arith.extui %sign3A_897 : i1 to i32
    %sign3A_899 = arith.subi %sign3A_895, %sign3A_898 : i32
    %sign3A_900 = arith.constant 0 : i32
    %sign3A_901 = arith.cmpi sgt, %jit3A_891, %sign3A_900 : i32
    %sign3A_902 = arith.extui %sign3A_901 : i1 to i32
    %sign3A_903 = arith.constant 0 : i32
    %sign3A_904 = arith.cmpi slt, %jit3A_891, %sign3A_903 : i32
    %sign3A_905 = arith.extui %sign3A_904 : i1 to i32
    %sign3A_906 = arith.subi %sign3A_902, %sign3A_905 : i32
    %ne3A_907 = arith.cmpi ne, %sign3A_899, %sign3A_906 : i32
    %rem3A_908 = arith.remsi %mul3A_890, %jit3A_891 : i32
    %ne3A_909 = arith.constant 0 : i32
    %ne3A_910 = arith.cmpi ne, %rem3A_908, %ne3A_909 : i32
    %and3A_911 = arith.andi %ne3A_907, %ne3A_910 : i1
    %sub3A_912 = arith.constant 1 : i32
    %sub3A_913 = arith.subi %div3A_892, %sub3A_912 : i32
    %select_n3A_914 = arith.select %and3A_911, %sub3A_913, %div3A_892 : i32
    %add3A_915 = arith.addi %mul3A_887, %select_n3A_914 : i32
    %sub3A_916 = arith.constant 18 : i32
    %sub3A_917 = arith.subi %add3A_868, %sub3A_916 : i32
    %mul3A_918 = arith.constant 37 : i32
    %mul3A_919 = arith.muli %mul3A_918, %sub3A_917 : i32
    %add3A_920 = arith.constant 495 : i32
    %add3A_921 = arith.addi %add3A_920, %mul3A_919 : i32
    %sub3A_922 = arith.constant 1 : i32
    %sub3A_923 = arith.subi %sub3A_917, %sub3A_922 : i32
    %mul3A_924 = arith.muli %sub3A_917, %sub3A_923 : i32
    %jit3A_925 = arith.constant 2 : i32
    %div3A_926 = arith.divsi %mul3A_924, %jit3A_925 : i32
    %sign3A_927 = arith.constant 0 : i32
    %sign3A_928 = arith.cmpi sgt, %mul3A_924, %sign3A_927 : i32
    %sign3A_929 = arith.extui %sign3A_928 : i1 to i32
    %sign3A_930 = arith.constant 0 : i32
    %sign3A_931 = arith.cmpi slt, %mul3A_924, %sign3A_930 : i32
    %sign3A_932 = arith.extui %sign3A_931 : i1 to i32
    %sign3A_933 = arith.subi %sign3A_929, %sign3A_932 : i32
    %sign3A_934 = arith.constant 0 : i32
    %sign3A_935 = arith.cmpi sgt, %jit3A_925, %sign3A_934 : i32
    %sign3A_936 = arith.extui %sign3A_935 : i1 to i32
    %sign3A_937 = arith.constant 0 : i32
    %sign3A_938 = arith.cmpi slt, %jit3A_925, %sign3A_937 : i32
    %sign3A_939 = arith.extui %sign3A_938 : i1 to i32
    %sign3A_940 = arith.subi %sign3A_936, %sign3A_939 : i32
    %ne3A_941 = arith.cmpi ne, %sign3A_933, %sign3A_940 : i32
    %rem3A_942 = arith.remsi %mul3A_924, %jit3A_925 : i32
    %ne3A_943 = arith.constant 0 : i32
    %ne3A_944 = arith.cmpi ne, %rem3A_942, %ne3A_943 : i32
    %and3A_945 = arith.andi %ne3A_941, %ne3A_944 : i1
    %sub3A_946 = arith.constant 1 : i32
    %sub3A_947 = arith.subi %div3A_926, %sub3A_946 : i32
    %select_n3A_948 = arith.select %and3A_945, %sub3A_947, %div3A_926 : i32
    %sub3A_949 = arith.subi %add3A_921, %select_n3A_948 : i32
    %le3A_950 = arith.constant 18 : i32
    %le3A_951 = arith.cmpi sle, %add3A_868, %le3A_950 : i32
    %select_n3A_952 = arith.select %le3A_951, %add3A_915, %sub3A_949 : i32
    %add3A_953 = vector.broadcast %select_n3A_952 : i32 to vector<16xi32>
    %add3A_954 = arith.addi %add3A_953, %add3A_872 : vector<16xi32>
    %sub3A_955 = vector.broadcast %max3A_876 : i32 to vector<16xi32>
    %sub3A_956 = arith.subi %add3A_954, %sub3A_955 : vector<16xi32>
    %jit3A_957 = arith.constant 0 : i32
    %broadcast_in_dim3A_958 = vector.broadcast %jit3A_957 : i32 to vector<16xi32>
    %select_n3A_959 = arith.select %and3A_885, %sub3A_956, %broadcast_in_dim3A_958 : vector<16xi1>, vector<16xi32>
    %jit3A_960 = arith.constant 0 : i32
    %jit3A_961 = arith.constant 1038 : i32
    %max3A_962 = vector.broadcast %jit3A_960 : i32 to vector<16xi32>
    %max3A_963 = arith.maxsi %max3A_962, %select_n3A_959 : vector<16xi32>
    %min3A_964 = vector.broadcast %jit3A_961 : i32 to vector<16xi32>
    %min3A_965 = arith.minsi %min3A_964, %max3A_963 : vector<16xi32>
    %iota3A_966 = tpu.iota {dimensions = array<i32: 0>} : vector<16xi32>
    %add3A_967 = arith.constant 16 : i32
    %add3A_968 = vector.broadcast %add3A_967 : i32 to vector<16xi32>
    %add3A_969 = arith.addi %add3A_968, %iota3A_966 : vector<16xi32>
    %sub3A_970 = arith.constant 18 : i32
    %sub3A_971 = arith.subi %sub3A_970, %add3A_868 : i32
    %max3A_972 = arith.constant 0 : i32
    %max3A_973 = arith.maxsi %sub3A_971, %max3A_972 : i32
    %sub3A_974 = arith.constant 54 : i32
    %sub3A_975 = arith.subi %sub3A_974, %add3A_868 : i32
    %min3A_976 = arith.constant 36 : i32
    %min3A_977 = arith.minsi %min3A_976, %sub3A_975 : i32
    %ge3A_978 = vector.broadcast %max3A_973 : i32 to vector<16xi32>
    %ge3A_979 = arith.cmpi sge, %add3A_969, %ge3A_978 : vector<16xi32>
    %le3A_980 = vector.broadcast %min3A_977 : i32 to vector<16xi32>
    %le3A_981 = arith.cmpi sle, %add3A_969, %le3A_980 : vector<16xi32>
    %and3A_982 = arith.andi %ge3A_979, %le3A_981 : vector<16xi1>
    %mul3A_983 = arith.constant 19 : i32
    %mul3A_984 = arith.muli %mul3A_983, %add3A_868 : i32
    %sub3A_985 = arith.constant 1 : i32
    %sub3A_986 = arith.subi %add3A_868, %sub3A_985 : i32
    %mul3A_987 = arith.muli %add3A_868, %sub3A_986 : i32
    %jit3A_988 = arith.constant 2 : i32
    %div3A_989 = arith.divsi %mul3A_987, %jit3A_988 : i32
    %sign3A_990 = arith.constant 0 : i32
    %sign3A_991 = arith.cmpi sgt, %mul3A_987, %sign3A_990 : i32
    %sign3A_992 = arith.extui %sign3A_991 : i1 to i32
    %sign3A_993 = arith.constant 0 : i32
    %sign3A_994 = arith.cmpi slt, %mul3A_987, %sign3A_993 : i32
    %sign3A_995 = arith.extui %sign3A_994 : i1 to i32
    %sign3A_996 = arith.subi %sign3A_992, %sign3A_995 : i32
    %sign3A_997 = arith.constant 0 : i32
    %sign3A_998 = arith.cmpi sgt, %jit3A_988, %sign3A_997 : i32
    %sign3A_999 = arith.extui %sign3A_998 : i1 to i32
    %sign3A_1000 = arith.constant 0 : i32
    %sign3A_1001 = arith.cmpi slt, %jit3A_988, %sign3A_1000 : i32
    %sign3A_1002 = arith.extui %sign3A_1001 : i1 to i32
    %sign3A_1003 = arith.subi %sign3A_999, %sign3A_1002 : i32
    %ne3A_1004 = arith.cmpi ne, %sign3A_996, %sign3A_1003 : i32
    %rem3A_1005 = arith.remsi %mul3A_987, %jit3A_988 : i32
    %ne3A_1006 = arith.constant 0 : i32
    %ne3A_1007 = arith.cmpi ne, %rem3A_1005, %ne3A_1006 : i32
    %and3A_1008 = arith.andi %ne3A_1004, %ne3A_1007 : i1
    %sub3A_1009 = arith.constant 1 : i32
    %sub3A_1010 = arith.subi %div3A_989, %sub3A_1009 : i32
    %select_n3A_1011 = arith.select %and3A_1008, %sub3A_1010, %div3A_989 : i32
    %add3A_1012 = arith.addi %mul3A_984, %select_n3A_1011 : i32
    %sub3A_1013 = arith.constant 18 : i32
    %sub3A_1014 = arith.subi %add3A_868, %sub3A_1013 : i32
    %mul3A_1015 = arith.constant 37 : i32
    %mul3A_1016 = arith.muli %mul3A_1015, %sub3A_1014 : i32
    %add3A_1017 = arith.constant 495 : i32
    %add3A_1018 = arith.addi %add3A_1017, %mul3A_1016 : i32
    %sub3A_1019 = arith.constant 1 : i32
    %sub3A_1020 = arith.subi %sub3A_1014, %sub3A_1019 : i32
    %mul3A_1021 = arith.muli %sub3A_1014, %sub3A_1020 : i32
    %jit3A_1022 = arith.constant 2 : i32
    %div3A_1023 = arith.divsi %mul3A_1021, %jit3A_1022 : i32
    %sign3A_1024 = arith.constant 0 : i32
    %sign3A_1025 = arith.cmpi sgt, %mul3A_1021, %sign3A_1024 : i32
    %sign3A_1026 = arith.extui %sign3A_1025 : i1 to i32
    %sign3A_1027 = arith.constant 0 : i32
    %sign3A_1028 = arith.cmpi slt, %mul3A_1021, %sign3A_1027 : i32
    %sign3A_1029 = arith.extui %sign3A_1028 : i1 to i32
    %sign3A_1030 = arith.subi %sign3A_1026, %sign3A_1029 : i32
    %sign3A_1031 = arith.constant 0 : i32
    %sign3A_1032 = arith.cmpi sgt, %jit3A_1022, %sign3A_1031 : i32
    %sign3A_1033 = arith.extui %sign3A_1032 : i1 to i32
    %sign3A_1034 = arith.constant 0 : i32
    %sign3A_1035 = arith.cmpi slt, %jit3A_1022, %sign3A_1034 : i32
    %sign3A_1036 = arith.extui %sign3A_1035 : i1 to i32
    %sign3A_1037 = arith.subi %sign3A_1033, %sign3A_1036 : i32
    %ne3A_1038 = arith.cmpi ne, %sign3A_1030, %sign3A_1037 : i32
    %rem3A_1039 = arith.remsi %mul3A_1021, %jit3A_1022 : i32
    %ne3A_1040 = arith.constant 0 : i32
    %ne3A_1041 = arith.cmpi ne, %rem3A_1039, %ne3A_1040 : i32
    %and3A_1042 = arith.andi %ne3A_1038, %ne3A_1041 : i1
    %sub3A_1043 = arith.constant 1 : i32
    %sub3A_1044 = arith.subi %div3A_1023, %sub3A_1043 : i32
    %select_n3A_1045 = arith.select %and3A_1042, %sub3A_1044, %div3A_1023 : i32
    %sub3A_1046 = arith.subi %add3A_1018, %select_n3A_1045 : i32
    %le3A_1047 = arith.constant 18 : i32
    %le3A_1048 = arith.cmpi sle, %add3A_868, %le3A_1047 : i32
    %select_n3A_1049 = arith.select %le3A_1048, %add3A_1012, %sub3A_1046 : i32
    %add3A_1050 = vector.broadcast %select_n3A_1049 : i32 to vector<16xi32>
    %add3A_1051 = arith.addi %add3A_1050, %add3A_969 : vector<16xi32>
    %sub3A_1052 = vector.broadcast %max3A_973 : i32 to vector<16xi32>
    %sub3A_1053 = arith.subi %add3A_1051, %sub3A_1052 : vector<16xi32>
    %jit3A_1054 = arith.constant 0 : i32
    %broadcast_in_dim3A_1055 = vector.broadcast %jit3A_1054 : i32 to vector<16xi32>
    %select_n3A_1056 = arith.select %and3A_982, %sub3A_1053, %broadcast_in_dim3A_1055 : vector<16xi1>, vector<16xi32>
    %jit3A_1057 = arith.constant 0 : i32
    %jit3A_1058 = arith.constant 1038 : i32
    %max3A_1059 = vector.broadcast %jit3A_1057 : i32 to vector<16xi32>
    %max3A_1060 = arith.maxsi %max3A_1059, %select_n3A_1056 : vector<16xi32>
    %min3A_1061 = vector.broadcast %jit3A_1058 : i32 to vector<16xi32>
    %min3A_1062 = arith.minsi %min3A_1061, %max3A_1060 : vector<16xi32>
    %iota3A_1063 = tpu.iota {dimensions = array<i32: 0>} : vector<16xi32>
    %add3A_1064 = arith.constant 21 : i32
    %add3A_1065 = vector.broadcast %add3A_1064 : i32 to vector<16xi32>
    %add3A_1066 = arith.addi %add3A_1065, %iota3A_1063 : vector<16xi32>
    %sub3A_1067 = arith.constant 18 : i32
    %sub3A_1068 = arith.subi %sub3A_1067, %add3A_868 : i32
    %max3A_1069 = arith.constant 0 : i32
    %max3A_1070 = arith.maxsi %sub3A_1068, %max3A_1069 : i32
    %sub3A_1071 = arith.constant 54 : i32
    %sub3A_1072 = arith.subi %sub3A_1071, %add3A_868 : i32
    %min3A_1073 = arith.constant 36 : i32
    %min3A_1074 = arith.minsi %min3A_1073, %sub3A_1072 : i32
    %ge3A_1075 = vector.broadcast %max3A_1070 : i32 to vector<16xi32>
    %ge3A_1076 = arith.cmpi sge, %add3A_1066, %ge3A_1075 : vector<16xi32>
    %le3A_1077 = vector.broadcast %min3A_1074 : i32 to vector<16xi32>
    %le3A_1078 = arith.cmpi sle, %add3A_1066, %le3A_1077 : vector<16xi32>
    %and3A_1079 = arith.andi %ge3A_1076, %le3A_1078 : vector<16xi1>
    %mul3A_1080 = arith.constant 19 : i32
    %mul3A_1081 = arith.muli %mul3A_1080, %add3A_868 : i32
    %sub3A_1082 = arith.constant 1 : i32
    %sub3A_1083 = arith.subi %add3A_868, %sub3A_1082 : i32
    %mul3A_1084 = arith.muli %add3A_868, %sub3A_1083 : i32
    %jit3A_1085 = arith.constant 2 : i32
    %div3A_1086 = arith.divsi %mul3A_1084, %jit3A_1085 : i32
    %sign3A_1087 = arith.constant 0 : i32
    %sign3A_1088 = arith.cmpi sgt, %mul3A_1084, %sign3A_1087 : i32
    %sign3A_1089 = arith.extui %sign3A_1088 : i1 to i32
    %sign3A_1090 = arith.constant 0 : i32
    %sign3A_1091 = arith.cmpi slt, %mul3A_1084, %sign3A_1090 : i32
    %sign3A_1092 = arith.extui %sign3A_1091 : i1 to i32
    %sign3A_1093 = arith.subi %sign3A_1089, %sign3A_1092 : i32
    %sign3A_1094 = arith.constant 0 : i32
    %sign3A_1095 = arith.cmpi sgt, %jit3A_1085, %sign3A_1094 : i32
    %sign3A_1096 = arith.extui %sign3A_1095 : i1 to i32
    %sign3A_1097 = arith.constant 0 : i32
    %sign3A_1098 = arith.cmpi slt, %jit3A_1085, %sign3A_1097 : i32
    %sign3A_1099 = arith.extui %sign3A_1098 : i1 to i32
    %sign3A_1100 = arith.subi %sign3A_1096, %sign3A_1099 : i32
    %ne3A_1101 = arith.cmpi ne, %sign3A_1093, %sign3A_1100 : i32
    %rem3A_1102 = arith.remsi %mul3A_1084, %jit3A_1085 : i32
    %ne3A_1103 = arith.constant 0 : i32
    %ne3A_1104 = arith.cmpi ne, %rem3A_1102, %ne3A_1103 : i32
    %and3A_1105 = arith.andi %ne3A_1101, %ne3A_1104 : i1
    %sub3A_1106 = arith.constant 1 : i32
    %sub3A_1107 = arith.subi %div3A_1086, %sub3A_1106 : i32
    %select_n3A_1108 = arith.select %and3A_1105, %sub3A_1107, %div3A_1086 : i32
    %add3A_1109 = arith.addi %mul3A_1081, %select_n3A_1108 : i32
    %sub3A_1110 = arith.constant 18 : i32
    %sub3A_1111 = arith.subi %add3A_868, %sub3A_1110 : i32
    %mul3A_1112 = arith.constant 37 : i32
    %mul3A_1113 = arith.muli %mul3A_1112, %sub3A_1111 : i32
    %add3A_1114 = arith.constant 495 : i32
    %add3A_1115 = arith.addi %add3A_1114, %mul3A_1113 : i32
    %sub3A_1116 = arith.constant 1 : i32
    %sub3A_1117 = arith.subi %sub3A_1111, %sub3A_1116 : i32
    %mul3A_1118 = arith.muli %sub3A_1111, %sub3A_1117 : i32
    %jit3A_1119 = arith.constant 2 : i32
    %div3A_1120 = arith.divsi %mul3A_1118, %jit3A_1119 : i32
    %sign3A_1121 = arith.constant 0 : i32
    %sign3A_1122 = arith.cmpi sgt, %mul3A_1118, %sign3A_1121 : i32
    %sign3A_1123 = arith.extui %sign3A_1122 : i1 to i32
    %sign3A_1124 = arith.constant 0 : i32
    %sign3A_1125 = arith.cmpi slt, %mul3A_1118, %sign3A_1124 : i32
    %sign3A_1126 = arith.extui %sign3A_1125 : i1 to i32
    %sign3A_1127 = arith.subi %sign3A_1123, %sign3A_1126 : i32
    %sign3A_1128 = arith.constant 0 : i32
    %sign3A_1129 = arith.cmpi sgt, %jit3A_1119, %sign3A_1128 : i32
    %sign3A_1130 = arith.extui %sign3A_1129 : i1 to i32
    %sign3A_1131 = arith.constant 0 : i32
    %sign3A_1132 = arith.cmpi slt, %jit3A_1119, %sign3A_1131 : i32
    %sign3A_1133 = arith.extui %sign3A_1132 : i1 to i32
    %sign3A_1134 = arith.subi %sign3A_1130, %sign3A_1133 : i32
    %ne3A_1135 = arith.cmpi ne, %sign3A_1127, %sign3A_1134 : i32
    %rem3A_1136 = arith.remsi %mul3A_1118, %jit3A_1119 : i32
    %ne3A_1137 = arith.constant 0 : i32
    %ne3A_1138 = arith.cmpi ne, %rem3A_1136, %ne3A_1137 : i32
    %and3A_1139 = arith.andi %ne3A_1135, %ne3A_1138 : i1
    %sub3A_1140 = arith.constant 1 : i32
    %sub3A_1141 = arith.subi %div3A_1120, %sub3A_1140 : i32
    %select_n3A_1142 = arith.select %and3A_1139, %sub3A_1141, %div3A_1120 : i32
    %sub3A_1143 = arith.subi %add3A_1115, %select_n3A_1142 : i32
    %le3A_1144 = arith.constant 18 : i32
    %le3A_1145 = arith.cmpi sle, %add3A_868, %le3A_1144 : i32
    %select_n3A_1146 = arith.select %le3A_1145, %add3A_1109, %sub3A_1143 : i32
    %add3A_1147 = vector.broadcast %select_n3A_1146 : i32 to vector<16xi32>
    %add3A_1148 = arith.addi %add3A_1147, %add3A_1066 : vector<16xi32>
    %sub3A_1149 = vector.broadcast %max3A_1070 : i32 to vector<16xi32>
    %sub3A_1150 = arith.subi %add3A_1148, %sub3A_1149 : vector<16xi32>
    %jit3A_1151 = arith.constant 0 : i32
    %broadcast_in_dim3A_1152 = vector.broadcast %jit3A_1151 : i32 to vector<16xi32>
    %select_n3A_1153 = arith.select %and3A_1079, %sub3A_1150, %broadcast_in_dim3A_1152 : vector<16xi1>, vector<16xi32>
    %jit3A_1154 = arith.constant 0 : i32
    %jit3A_1155 = arith.constant 1038 : i32
    %max3A_1156 = vector.broadcast %jit3A_1154 : i32 to vector<16xi32>
    %max3A_1157 = arith.maxsi %max3A_1156, %select_n3A_1153 : vector<16xi32>
    %min3A_1158 = vector.broadcast %jit3A_1155 : i32 to vector<16xi32>
    %min3A_1159 = arith.minsi %min3A_1158, %max3A_1157 : vector<16xi32>
    %add3A_1160 = arith.constant 4 : i32
    %add3A_1161 = arith.addi %mul3A_0, %add3A_1160 : i32
    %iota3A_1162 = tpu.iota {dimensions = array<i32: 0>} : vector<16xi32>
    %add3A_1163 = arith.constant 0 : i32
    %add3A_1164 = vector.broadcast %add3A_1163 : i32 to vector<16xi32>
    %add3A_1165 = arith.addi %add3A_1164, %iota3A_1162 : vector<16xi32>
    %sub3A_1166 = arith.constant 18 : i32
    %sub3A_1167 = arith.subi %sub3A_1166, %add3A_1161 : i32
    %max3A_1168 = arith.constant 0 : i32
    %max3A_1169 = arith.maxsi %sub3A_1167, %max3A_1168 : i32
    %sub3A_1170 = arith.constant 54 : i32
    %sub3A_1171 = arith.subi %sub3A_1170, %add3A_1161 : i32
    %min3A_1172 = arith.constant 36 : i32
    %min3A_1173 = arith.minsi %min3A_1172, %sub3A_1171 : i32
    %ge3A_1174 = vector.broadcast %max3A_1169 : i32 to vector<16xi32>
    %ge3A_1175 = arith.cmpi sge, %add3A_1165, %ge3A_1174 : vector<16xi32>
    %le3A_1176 = vector.broadcast %min3A_1173 : i32 to vector<16xi32>
    %le3A_1177 = arith.cmpi sle, %add3A_1165, %le3A_1176 : vector<16xi32>
    %and3A_1178 = arith.andi %ge3A_1175, %le3A_1177 : vector<16xi1>
    %mul3A_1179 = arith.constant 19 : i32
    %mul3A_1180 = arith.muli %mul3A_1179, %add3A_1161 : i32
    %sub3A_1181 = arith.constant 1 : i32
    %sub3A_1182 = arith.subi %add3A_1161, %sub3A_1181 : i32
    %mul3A_1183 = arith.muli %add3A_1161, %sub3A_1182 : i32
    %jit3A_1184 = arith.constant 2 : i32
    %div3A_1185 = arith.divsi %mul3A_1183, %jit3A_1184 : i32
    %sign3A_1186 = arith.constant 0 : i32
    %sign3A_1187 = arith.cmpi sgt, %mul3A_1183, %sign3A_1186 : i32
    %sign3A_1188 = arith.extui %sign3A_1187 : i1 to i32
    %sign3A_1189 = arith.constant 0 : i32
    %sign3A_1190 = arith.cmpi slt, %mul3A_1183, %sign3A_1189 : i32
    %sign3A_1191 = arith.extui %sign3A_1190 : i1 to i32
    %sign3A_1192 = arith.subi %sign3A_1188, %sign3A_1191 : i32
    %sign3A_1193 = arith.constant 0 : i32
    %sign3A_1194 = arith.cmpi sgt, %jit3A_1184, %sign3A_1193 : i32
    %sign3A_1195 = arith.extui %sign3A_1194 : i1 to i32
    %sign3A_1196 = arith.constant 0 : i32
    %sign3A_1197 = arith.cmpi slt, %jit3A_1184, %sign3A_1196 : i32
    %sign3A_1198 = arith.extui %sign3A_1197 : i1 to i32
    %sign3A_1199 = arith.subi %sign3A_1195, %sign3A_1198 : i32
    %ne3A_1200 = arith.cmpi ne, %sign3A_1192, %sign3A_1199 : i32
    %rem3A_1201 = arith.remsi %mul3A_1183, %jit3A_1184 : i32
    %ne3A_1202 = arith.constant 0 : i32
    %ne3A_1203 = arith.cmpi ne, %rem3A_1201, %ne3A_1202 : i32
    %and3A_1204 = arith.andi %ne3A_1200, %ne3A_1203 : i1
    %sub3A_1205 = arith.constant 1 : i32
    %sub3A_1206 = arith.subi %div3A_1185, %sub3A_1205 : i32
    %select_n3A_1207 = arith.select %and3A_1204, %sub3A_1206, %div3A_1185 : i32
    %add3A_1208 = arith.addi %mul3A_1180, %select_n3A_1207 : i32
    %sub3A_1209 = arith.constant 18 : i32
    %sub3A_1210 = arith.subi %add3A_1161, %sub3A_1209 : i32
    %mul3A_1211 = arith.constant 37 : i32
    %mul3A_1212 = arith.muli %mul3A_1211, %sub3A_1210 : i32
    %add3A_1213 = arith.constant 495 : i32
    %add3A_1214 = arith.addi %add3A_1213, %mul3A_1212 : i32
    %sub3A_1215 = arith.constant 1 : i32
    %sub3A_1216 = arith.subi %sub3A_1210, %sub3A_1215 : i32
    %mul3A_1217 = arith.muli %sub3A_1210, %sub3A_1216 : i32
    %jit3A_1218 = arith.constant 2 : i32
    %div3A_1219 = arith.divsi %mul3A_1217, %jit3A_1218 : i32
    %sign3A_1220 = arith.constant 0 : i32
    %sign3A_1221 = arith.cmpi sgt, %mul3A_1217, %sign3A_1220 : i32
    %sign3A_1222 = arith.extui %sign3A_1221 : i1 to i32
    %sign3A_1223 = arith.constant 0 : i32
    %sign3A_1224 = arith.cmpi slt, %mul3A_1217, %sign3A_1223 : i32
    %sign3A_1225 = arith.extui %sign3A_1224 : i1 to i32
    %sign3A_1226 = arith.subi %sign3A_1222, %sign3A_1225 : i32
    %sign3A_1227 = arith.constant 0 : i32
    %sign3A_1228 = arith.cmpi sgt, %jit3A_1218, %sign3A_1227 : i32
    %sign3A_1229 = arith.extui %sign3A_1228 : i1 to i32
    %sign3A_1230 = arith.constant 0 : i32
    %sign3A_1231 = arith.cmpi slt, %jit3A_1218, %sign3A_1230 : i32
    %sign3A_1232 = arith.extui %sign3A_1231 : i1 to i32
    %sign3A_1233 = arith.subi %sign3A_1229, %sign3A_1232 : i32
    %ne3A_1234 = arith.cmpi ne, %sign3A_1226, %sign3A_1233 : i32
    %rem3A_1235 = arith.remsi %mul3A_1217, %jit3A_1218 : i32
    %ne3A_1236 = arith.constant 0 : i32
    %ne3A_1237 = arith.cmpi ne, %rem3A_1235, %ne3A_1236 : i32
    %and3A_1238 = arith.andi %ne3A_1234, %ne3A_1237 : i1
    %sub3A_1239 = arith.constant 1 : i32
    %sub3A_1240 = arith.subi %div3A_1219, %sub3A_1239 : i32
    %select_n3A_1241 = arith.select %and3A_1238, %sub3A_1240, %div3A_1219 : i32
    %sub3A_1242 = arith.subi %add3A_1214, %select_n3A_1241 : i32
    %le3A_1243 = arith.constant 18 : i32
    %le3A_1244 = arith.cmpi sle, %add3A_1161, %le3A_1243 : i32
    %select_n3A_1245 = arith.select %le3A_1244, %add3A_1208, %sub3A_1242 : i32
    %add3A_1246 = vector.broadcast %select_n3A_1245 : i32 to vector<16xi32>
    %add3A_1247 = arith.addi %add3A_1246, %add3A_1165 : vector<16xi32>
    %sub3A_1248 = vector.broadcast %max3A_1169 : i32 to vector<16xi32>
    %sub3A_1249 = arith.subi %add3A_1247, %sub3A_1248 : vector<16xi32>
    %jit3A_1250 = arith.constant 0 : i32
    %broadcast_in_dim3A_1251 = vector.broadcast %jit3A_1250 : i32 to vector<16xi32>
    %select_n3A_1252 = arith.select %and3A_1178, %sub3A_1249, %broadcast_in_dim3A_1251 : vector<16xi1>, vector<16xi32>
    %jit3A_1253 = arith.constant 0 : i32
    %jit3A_1254 = arith.constant 1038 : i32
    %max3A_1255 = vector.broadcast %jit3A_1253 : i32 to vector<16xi32>
    %max3A_1256 = arith.maxsi %max3A_1255, %select_n3A_1252 : vector<16xi32>
    %min3A_1257 = vector.broadcast %jit3A_1254 : i32 to vector<16xi32>
    %min3A_1258 = arith.minsi %min3A_1257, %max3A_1256 : vector<16xi32>
    %iota3A_1259 = tpu.iota {dimensions = array<i32: 0>} : vector<16xi32>
    %add3A_1260 = arith.constant 16 : i32
    %add3A_1261 = vector.broadcast %add3A_1260 : i32 to vector<16xi32>
    %add3A_1262 = arith.addi %add3A_1261, %iota3A_1259 : vector<16xi32>
    %sub3A_1263 = arith.constant 18 : i32
    %sub3A_1264 = arith.subi %sub3A_1263, %add3A_1161 : i32
    %max3A_1265 = arith.constant 0 : i32
    %max3A_1266 = arith.maxsi %sub3A_1264, %max3A_1265 : i32
    %sub3A_1267 = arith.constant 54 : i32
    %sub3A_1268 = arith.subi %sub3A_1267, %add3A_1161 : i32
    %min3A_1269 = arith.constant 36 : i32
    %min3A_1270 = arith.minsi %min3A_1269, %sub3A_1268 : i32
    %ge3A_1271 = vector.broadcast %max3A_1266 : i32 to vector<16xi32>
    %ge3A_1272 = arith.cmpi sge, %add3A_1262, %ge3A_1271 : vector<16xi32>
    %le3A_1273 = vector.broadcast %min3A_1270 : i32 to vector<16xi32>
    %le3A_1274 = arith.cmpi sle, %add3A_1262, %le3A_1273 : vector<16xi32>
    %and3A_1275 = arith.andi %ge3A_1272, %le3A_1274 : vector<16xi1>
    %mul3A_1276 = arith.constant 19 : i32
    %mul3A_1277 = arith.muli %mul3A_1276, %add3A_1161 : i32
    %sub3A_1278 = arith.constant 1 : i32
    %sub3A_1279 = arith.subi %add3A_1161, %sub3A_1278 : i32
    %mul3A_1280 = arith.muli %add3A_1161, %sub3A_1279 : i32
    %jit3A_1281 = arith.constant 2 : i32
    %div3A_1282 = arith.divsi %mul3A_1280, %jit3A_1281 : i32
    %sign3A_1283 = arith.constant 0 : i32
    %sign3A_1284 = arith.cmpi sgt, %mul3A_1280, %sign3A_1283 : i32
    %sign3A_1285 = arith.extui %sign3A_1284 : i1 to i32
    %sign3A_1286 = arith.constant 0 : i32
    %sign3A_1287 = arith.cmpi slt, %mul3A_1280, %sign3A_1286 : i32
    %sign3A_1288 = arith.extui %sign3A_1287 : i1 to i32
    %sign3A_1289 = arith.subi %sign3A_1285, %sign3A_1288 : i32
    %sign3A_1290 = arith.constant 0 : i32
    %sign3A_1291 = arith.cmpi sgt, %jit3A_1281, %sign3A_1290 : i32
    %sign3A_1292 = arith.extui %sign3A_1291 : i1 to i32
    %sign3A_1293 = arith.constant 0 : i32
    %sign3A_1294 = arith.cmpi slt, %jit3A_1281, %sign3A_1293 : i32
    %sign3A_1295 = arith.extui %sign3A_1294 : i1 to i32
    %sign3A_1296 = arith.subi %sign3A_1292, %sign3A_1295 : i32
    %ne3A_1297 = arith.cmpi ne, %sign3A_1289, %sign3A_1296 : i32
    %rem3A_1298 = arith.remsi %mul3A_1280, %jit3A_1281 : i32
    %ne3A_1299 = arith.constant 0 : i32
    %ne3A_1300 = arith.cmpi ne, %rem3A_1298, %ne3A_1299 : i32
    %and3A_1301 = arith.andi %ne3A_1297, %ne3A_1300 : i1
    %sub3A_1302 = arith.constant 1 : i32
    %sub3A_1303 = arith.subi %div3A_1282, %sub3A_1302 : i32
    %select_n3A_1304 = arith.select %and3A_1301, %sub3A_1303, %div3A_1282 : i32
    %add3A_1305 = arith.addi %mul3A_1277, %select_n3A_1304 : i32
    %sub3A_1306 = arith.constant 18 : i32
    %sub3A_1307 = arith.subi %add3A_1161, %sub3A_1306 : i32
    %mul3A_1308 = arith.constant 37 : i32
    %mul3A_1309 = arith.muli %mul3A_1308, %sub3A_1307 : i32
    %add3A_1310 = arith.constant 495 : i32
    %add3A_1311 = arith.addi %add3A_1310, %mul3A_1309 : i32
    %sub3A_1312 = arith.constant 1 : i32
    %sub3A_1313 = arith.subi %sub3A_1307, %sub3A_1312 : i32
    %mul3A_1314 = arith.muli %sub3A_1307, %sub3A_1313 : i32
    %jit3A_1315 = arith.constant 2 : i32
    %div3A_1316 = arith.divsi %mul3A_1314, %jit3A_1315 : i32
    %sign3A_1317 = arith.constant 0 : i32
    %sign3A_1318 = arith.cmpi sgt, %mul3A_1314, %sign3A_1317 : i32
    %sign3A_1319 = arith.extui %sign3A_1318 : i1 to i32
    %sign3A_1320 = arith.constant 0 : i32
    %sign3A_1321 = arith.cmpi slt, %mul3A_1314, %sign3A_1320 : i32
    %sign3A_1322 = arith.extui %sign3A_1321 : i1 to i32
    %sign3A_1323 = arith.subi %sign3A_1319, %sign3A_1322 : i32
    %sign3A_1324 = arith.constant 0 : i32
    %sign3A_1325 = arith.cmpi sgt, %jit3A_1315, %sign3A_1324 : i32
    %sign3A_1326 = arith.extui %sign3A_1325 : i1 to i32
    %sign3A_1327 = arith.constant 0 : i32
    %sign3A_1328 = arith.cmpi slt, %jit3A_1315, %sign3A_1327 : i32
    %sign3A_1329 = arith.extui %sign3A_1328 : i1 to i32
    %sign3A_1330 = arith.subi %sign3A_1326, %sign3A_1329 : i32
    %ne3A_1331 = arith.cmpi ne, %sign3A_1323, %sign3A_1330 : i32
    %rem3A_1332 = arith.remsi %mul3A_1314, %jit3A_1315 : i32
    %ne3A_1333 = arith.constant 0 : i32
    %ne3A_1334 = arith.cmpi ne, %rem3A_1332, %ne3A_1333 : i32
    %and3A_1335 = arith.andi %ne3A_1331, %ne3A_1334 : i1
    %sub3A_1336 = arith.constant 1 : i32
    %sub3A_1337 = arith.subi %div3A_1316, %sub3A_1336 : i32
    %select_n3A_1338 = arith.select %and3A_1335, %sub3A_1337, %div3A_1316 : i32
    %sub3A_1339 = arith.subi %add3A_1311, %select_n3A_1338 : i32
    %le3A_1340 = arith.constant 18 : i32
    %le3A_1341 = arith.cmpi sle, %add3A_1161, %le3A_1340 : i32
    %select_n3A_1342 = arith.select %le3A_1341, %add3A_1305, %sub3A_1339 : i32
    %add3A_1343 = vector.broadcast %select_n3A_1342 : i32 to vector<16xi32>
    %add3A_1344 = arith.addi %add3A_1343, %add3A_1262 : vector<16xi32>
    %sub3A_1345 = vector.broadcast %max3A_1266 : i32 to vector<16xi32>
    %sub3A_1346 = arith.subi %add3A_1344, %sub3A_1345 : vector<16xi32>
    %jit3A_1347 = arith.constant 0 : i32
    %broadcast_in_dim3A_1348 = vector.broadcast %jit3A_1347 : i32 to vector<16xi32>
    %select_n3A_1349 = arith.select %and3A_1275, %sub3A_1346, %broadcast_in_dim3A_1348 : vector<16xi1>, vector<16xi32>
    %jit3A_1350 = arith.constant 0 : i32
    %jit3A_1351 = arith.constant 1038 : i32
    %max3A_1352 = vector.broadcast %jit3A_1350 : i32 to vector<16xi32>
    %max3A_1353 = arith.maxsi %max3A_1352, %select_n3A_1349 : vector<16xi32>
    %min3A_1354 = vector.broadcast %jit3A_1351 : i32 to vector<16xi32>
    %min3A_1355 = arith.minsi %min3A_1354, %max3A_1353 : vector<16xi32>
    %iota3A_1356 = tpu.iota {dimensions = array<i32: 0>} : vector<16xi32>
    %add3A_1357 = arith.constant 21 : i32
    %add3A_1358 = vector.broadcast %add3A_1357 : i32 to vector<16xi32>
    %add3A_1359 = arith.addi %add3A_1358, %iota3A_1356 : vector<16xi32>
    %sub3A_1360 = arith.constant 18 : i32
    %sub3A_1361 = arith.subi %sub3A_1360, %add3A_1161 : i32
    %max3A_1362 = arith.constant 0 : i32
    %max3A_1363 = arith.maxsi %sub3A_1361, %max3A_1362 : i32
    %sub3A_1364 = arith.constant 54 : i32
    %sub3A_1365 = arith.subi %sub3A_1364, %add3A_1161 : i32
    %min3A_1366 = arith.constant 36 : i32
    %min3A_1367 = arith.minsi %min3A_1366, %sub3A_1365 : i32
    %ge3A_1368 = vector.broadcast %max3A_1363 : i32 to vector<16xi32>
    %ge3A_1369 = arith.cmpi sge, %add3A_1359, %ge3A_1368 : vector<16xi32>
    %le3A_1370 = vector.broadcast %min3A_1367 : i32 to vector<16xi32>
    %le3A_1371 = arith.cmpi sle, %add3A_1359, %le3A_1370 : vector<16xi32>
    %and3A_1372 = arith.andi %ge3A_1369, %le3A_1371 : vector<16xi1>
    %mul3A_1373 = arith.constant 19 : i32
    %mul3A_1374 = arith.muli %mul3A_1373, %add3A_1161 : i32
    %sub3A_1375 = arith.constant 1 : i32
    %sub3A_1376 = arith.subi %add3A_1161, %sub3A_1375 : i32
    %mul3A_1377 = arith.muli %add3A_1161, %sub3A_1376 : i32
    %jit3A_1378 = arith.constant 2 : i32
    %div3A_1379 = arith.divsi %mul3A_1377, %jit3A_1378 : i32
    %sign3A_1380 = arith.constant 0 : i32
    %sign3A_1381 = arith.cmpi sgt, %mul3A_1377, %sign3A_1380 : i32
    %sign3A_1382 = arith.extui %sign3A_1381 : i1 to i32
    %sign3A_1383 = arith.constant 0 : i32
    %sign3A_1384 = arith.cmpi slt, %mul3A_1377, %sign3A_1383 : i32
    %sign3A_1385 = arith.extui %sign3A_1384 : i1 to i32
    %sign3A_1386 = arith.subi %sign3A_1382, %sign3A_1385 : i32
    %sign3A_1387 = arith.constant 0 : i32
    %sign3A_1388 = arith.cmpi sgt, %jit3A_1378, %sign3A_1387 : i32
    %sign3A_1389 = arith.extui %sign3A_1388 : i1 to i32
    %sign3A_1390 = arith.constant 0 : i32
    %sign3A_1391 = arith.cmpi slt, %jit3A_1378, %sign3A_1390 : i32
    %sign3A_1392 = arith.extui %sign3A_1391 : i1 to i32
    %sign3A_1393 = arith.subi %sign3A_1389, %sign3A_1392 : i32
    %ne3A_1394 = arith.cmpi ne, %sign3A_1386, %sign3A_1393 : i32
    %rem3A_1395 = arith.remsi %mul3A_1377, %jit3A_1378 : i32
    %ne3A_1396 = arith.constant 0 : i32
    %ne3A_1397 = arith.cmpi ne, %rem3A_1395, %ne3A_1396 : i32
    %and3A_1398 = arith.andi %ne3A_1394, %ne3A_1397 : i1
    %sub3A_1399 = arith.constant 1 : i32
    %sub3A_1400 = arith.subi %div3A_1379, %sub3A_1399 : i32
    %select_n3A_1401 = arith.select %and3A_1398, %sub3A_1400, %div3A_1379 : i32
    %add3A_1402 = arith.addi %mul3A_1374, %select_n3A_1401 : i32
    %sub3A_1403 = arith.constant 18 : i32
    %sub3A_1404 = arith.subi %add3A_1161, %sub3A_1403 : i32
    %mul3A_1405 = arith.constant 37 : i32
    %mul3A_1406 = arith.muli %mul3A_1405, %sub3A_1404 : i32
    %add3A_1407 = arith.constant 495 : i32
    %add3A_1408 = arith.addi %add3A_1407, %mul3A_1406 : i32
    %sub3A_1409 = arith.constant 1 : i32
    %sub3A_1410 = arith.subi %sub3A_1404, %sub3A_1409 : i32
    %mul3A_1411 = arith.muli %sub3A_1404, %sub3A_1410 : i32
    %jit3A_1412 = arith.constant 2 : i32
    %div3A_1413 = arith.divsi %mul3A_1411, %jit3A_1412 : i32
    %sign3A_1414 = arith.constant 0 : i32
    %sign3A_1415 = arith.cmpi sgt, %mul3A_1411, %sign3A_1414 : i32
    %sign3A_1416 = arith.extui %sign3A_1415 : i1 to i32
    %sign3A_1417 = arith.constant 0 : i32
    %sign3A_1418 = arith.cmpi slt, %mul3A_1411, %sign3A_1417 : i32
    %sign3A_1419 = arith.extui %sign3A_1418 : i1 to i32
    %sign3A_1420 = arith.subi %sign3A_1416, %sign3A_1419 : i32
    %sign3A_1421 = arith.constant 0 : i32
    %sign3A_1422 = arith.cmpi sgt, %jit3A_1412, %sign3A_1421 : i32
    %sign3A_1423 = arith.extui %sign3A_1422 : i1 to i32
    %sign3A_1424 = arith.constant 0 : i32
    %sign3A_1425 = arith.cmpi slt, %jit3A_1412, %sign3A_1424 : i32
    %sign3A_1426 = arith.extui %sign3A_1425 : i1 to i32
    %sign3A_1427 = arith.subi %sign3A_1423, %sign3A_1426 : i32
    %ne3A_1428 = arith.cmpi ne, %sign3A_1420, %sign3A_1427 : i32
    %rem3A_1429 = arith.remsi %mul3A_1411, %jit3A_1412 : i32
    %ne3A_1430 = arith.constant 0 : i32
    %ne3A_1431 = arith.cmpi ne, %rem3A_1429, %ne3A_1430 : i32
    %and3A_1432 = arith.andi %ne3A_1428, %ne3A_1431 : i1
    %sub3A_1433 = arith.constant 1 : i32
    %sub3A_1434 = arith.subi %div3A_1413, %sub3A_1433 : i32
    %select_n3A_1435 = arith.select %and3A_1432, %sub3A_1434, %div3A_1413 : i32
    %sub3A_1436 = arith.subi %add3A_1408, %select_n3A_1435 : i32
    %le3A_1437 = arith.constant 18 : i32
    %le3A_1438 = arith.cmpi sle, %add3A_1161, %le3A_1437 : i32
    %select_n3A_1439 = arith.select %le3A_1438, %add3A_1402, %sub3A_1436 : i32
    %add3A_1440 = vector.broadcast %select_n3A_1439 : i32 to vector<16xi32>
    %add3A_1441 = arith.addi %add3A_1440, %add3A_1359 : vector<16xi32>
    %sub3A_1442 = vector.broadcast %max3A_1363 : i32 to vector<16xi32>
    %sub3A_1443 = arith.subi %add3A_1441, %sub3A_1442 : vector<16xi32>
    %jit3A_1444 = arith.constant 0 : i32
    %broadcast_in_dim3A_1445 = vector.broadcast %jit3A_1444 : i32 to vector<16xi32>
    %select_n3A_1446 = arith.select %and3A_1372, %sub3A_1443, %broadcast_in_dim3A_1445 : vector<16xi1>, vector<16xi32>
    %jit3A_1447 = arith.constant 0 : i32
    %jit3A_1448 = arith.constant 1038 : i32
    %max3A_1449 = vector.broadcast %jit3A_1447 : i32 to vector<16xi32>
    %max3A_1450 = arith.maxsi %max3A_1449, %select_n3A_1446 : vector<16xi32>
    %min3A_1451 = vector.broadcast %jit3A_1448 : i32 to vector<16xi32>
    %min3A_1452 = arith.minsi %min3A_1451, %max3A_1450 : vector<16xi32>
    %add3A_1453 = arith.constant 5 : i32
    %add3A_1454 = arith.addi %mul3A_0, %add3A_1453 : i32
    %iota3A_1455 = tpu.iota {dimensions = array<i32: 0>} : vector<16xi32>
    %add3A_1456 = arith.constant 0 : i32
    %add3A_1457 = vector.broadcast %add3A_1456 : i32 to vector<16xi32>
    %add3A_1458 = arith.addi %add3A_1457, %iota3A_1455 : vector<16xi32>
    %sub3A_1459 = arith.constant 18 : i32
    %sub3A_1460 = arith.subi %sub3A_1459, %add3A_1454 : i32
    %max3A_1461 = arith.constant 0 : i32
    %max3A_1462 = arith.maxsi %sub3A_1460, %max3A_1461 : i32
    %sub3A_1463 = arith.constant 54 : i32
    %sub3A_1464 = arith.subi %sub3A_1463, %add3A_1454 : i32
    %min3A_1465 = arith.constant 36 : i32
    %min3A_1466 = arith.minsi %min3A_1465, %sub3A_1464 : i32
    %ge3A_1467 = vector.broadcast %max3A_1462 : i32 to vector<16xi32>
    %ge3A_1468 = arith.cmpi sge, %add3A_1458, %ge3A_1467 : vector<16xi32>
    %le3A_1469 = vector.broadcast %min3A_1466 : i32 to vector<16xi32>
    %le3A_1470 = arith.cmpi sle, %add3A_1458, %le3A_1469 : vector<16xi32>
    %and3A_1471 = arith.andi %ge3A_1468, %le3A_1470 : vector<16xi1>
    %mul3A_1472 = arith.constant 19 : i32
    %mul3A_1473 = arith.muli %mul3A_1472, %add3A_1454 : i32
    %sub3A_1474 = arith.constant 1 : i32
    %sub3A_1475 = arith.subi %add3A_1454, %sub3A_1474 : i32
    %mul3A_1476 = arith.muli %add3A_1454, %sub3A_1475 : i32
    %jit3A_1477 = arith.constant 2 : i32
    %div3A_1478 = arith.divsi %mul3A_1476, %jit3A_1477 : i32
    %sign3A_1479 = arith.constant 0 : i32
    %sign3A_1480 = arith.cmpi sgt, %mul3A_1476, %sign3A_1479 : i32
    %sign3A_1481 = arith.extui %sign3A_1480 : i1 to i32
    %sign3A_1482 = arith.constant 0 : i32
    %sign3A_1483 = arith.cmpi slt, %mul3A_1476, %sign3A_1482 : i32
    %sign3A_1484 = arith.extui %sign3A_1483 : i1 to i32
    %sign3A_1485 = arith.subi %sign3A_1481, %sign3A_1484 : i32
    %sign3A_1486 = arith.constant 0 : i32
    %sign3A_1487 = arith.cmpi sgt, %jit3A_1477, %sign3A_1486 : i32
    %sign3A_1488 = arith.extui %sign3A_1487 : i1 to i32
    %sign3A_1489 = arith.constant 0 : i32
    %sign3A_1490 = arith.cmpi slt, %jit3A_1477, %sign3A_1489 : i32
    %sign3A_1491 = arith.extui %sign3A_1490 : i1 to i32
    %sign3A_1492 = arith.subi %sign3A_1488, %sign3A_1491 : i32
    %ne3A_1493 = arith.cmpi ne, %sign3A_1485, %sign3A_1492 : i32
    %rem3A_1494 = arith.remsi %mul3A_1476, %jit3A_1477 : i32
    %ne3A_1495 = arith.constant 0 : i32
    %ne3A_1496 = arith.cmpi ne, %rem3A_1494, %ne3A_1495 : i32
    %and3A_1497 = arith.andi %ne3A_1493, %ne3A_1496 : i1
    %sub3A_1498 = arith.constant 1 : i32
    %sub3A_1499 = arith.subi %div3A_1478, %sub3A_1498 : i32
    %select_n3A_1500 = arith.select %and3A_1497, %sub3A_1499, %div3A_1478 : i32
    %add3A_1501 = arith.addi %mul3A_1473, %select_n3A_1500 : i32
    %sub3A_1502 = arith.constant 18 : i32
    %sub3A_1503 = arith.subi %add3A_1454, %sub3A_1502 : i32
    %mul3A_1504 = arith.constant 37 : i32
    %mul3A_1505 = arith.muli %mul3A_1504, %sub3A_1503 : i32
    %add3A_1506 = arith.constant 495 : i32
    %add3A_1507 = arith.addi %add3A_1506, %mul3A_1505 : i32
    %sub3A_1508 = arith.constant 1 : i32
    %sub3A_1509 = arith.subi %sub3A_1503, %sub3A_1508 : i32
    %mul3A_1510 = arith.muli %sub3A_1503, %sub3A_1509 : i32
    %jit3A_1511 = arith.constant 2 : i32
    %div3A_1512 = arith.divsi %mul3A_1510, %jit3A_1511 : i32
    %sign3A_1513 = arith.constant 0 : i32
    %sign3A_1514 = arith.cmpi sgt, %mul3A_1510, %sign3A_1513 : i32
    %sign3A_1515 = arith.extui %sign3A_1514 : i1 to i32
    %sign3A_1516 = arith.constant 0 : i32
    %sign3A_1517 = arith.cmpi slt, %mul3A_1510, %sign3A_1516 : i32
    %sign3A_1518 = arith.extui %sign3A_1517 : i1 to i32
    %sign3A_1519 = arith.subi %sign3A_1515, %sign3A_1518 : i32
    %sign3A_1520 = arith.constant 0 : i32
    %sign3A_1521 = arith.cmpi sgt, %jit3A_1511, %sign3A_1520 : i32
    %sign3A_1522 = arith.extui %sign3A_1521 : i1 to i32
    %sign3A_1523 = arith.constant 0 : i32
    %sign3A_1524 = arith.cmpi slt, %jit3A_1511, %sign3A_1523 : i32
    %sign3A_1525 = arith.extui %sign3A_1524 : i1 to i32
    %sign3A_1526 = arith.subi %sign3A_1522, %sign3A_1525 : i32
    %ne3A_1527 = arith.cmpi ne, %sign3A_1519, %sign3A_1526 : i32
    %rem3A_1528 = arith.remsi %mul3A_1510, %jit3A_1511 : i32
    %ne3A_1529 = arith.constant 0 : i32
    %ne3A_1530 = arith.cmpi ne, %rem3A_1528, %ne3A_1529 : i32
    %and3A_1531 = arith.andi %ne3A_1527, %ne3A_1530 : i1
    %sub3A_1532 = arith.constant 1 : i32
    %sub3A_1533 = arith.subi %div3A_1512, %sub3A_1532 : i32
    %select_n3A_1534 = arith.select %and3A_1531, %sub3A_1533, %div3A_1512 : i32
    %sub3A_1535 = arith.subi %add3A_1507, %select_n3A_1534 : i32
    %le3A_1536 = arith.constant 18 : i32
    %le3A_1537 = arith.cmpi sle, %add3A_1454, %le3A_1536 : i32
    %select_n3A_1538 = arith.select %le3A_1537, %add3A_1501, %sub3A_1535 : i32
    %add3A_1539 = vector.broadcast %select_n3A_1538 : i32 to vector<16xi32>
    %add3A_1540 = arith.addi %add3A_1539, %add3A_1458 : vector<16xi32>
    %sub3A_1541 = vector.broadcast %max3A_1462 : i32 to vector<16xi32>
    %sub3A_1542 = arith.subi %add3A_1540, %sub3A_1541 : vector<16xi32>
    %jit3A_1543 = arith.constant 0 : i32
    %broadcast_in_dim3A_1544 = vector.broadcast %jit3A_1543 : i32 to vector<16xi32>
    %select_n3A_1545 = arith.select %and3A_1471, %sub3A_1542, %broadcast_in_dim3A_1544 : vector<16xi1>, vector<16xi32>
    %jit3A_1546 = arith.constant 0 : i32
    %jit3A_1547 = arith.constant 1038 : i32
    %max3A_1548 = vector.broadcast %jit3A_1546 : i32 to vector<16xi32>
    %max3A_1549 = arith.maxsi %max3A_1548, %select_n3A_1545 : vector<16xi32>
    %min3A_1550 = vector.broadcast %jit3A_1547 : i32 to vector<16xi32>
    %min3A_1551 = arith.minsi %min3A_1550, %max3A_1549 : vector<16xi32>
    %iota3A_1552 = tpu.iota {dimensions = array<i32: 0>} : vector<16xi32>
    %add3A_1553 = arith.constant 16 : i32
    %add3A_1554 = vector.broadcast %add3A_1553 : i32 to vector<16xi32>
    %add3A_1555 = arith.addi %add3A_1554, %iota3A_1552 : vector<16xi32>
    %sub3A_1556 = arith.constant 18 : i32
    %sub3A_1557 = arith.subi %sub3A_1556, %add3A_1454 : i32
    %max3A_1558 = arith.constant 0 : i32
    %max3A_1559 = arith.maxsi %sub3A_1557, %max3A_1558 : i32
    %sub3A_1560 = arith.constant 54 : i32
    %sub3A_1561 = arith.subi %sub3A_1560, %add3A_1454 : i32
    %min3A_1562 = arith.constant 36 : i32
    %min3A_1563 = arith.minsi %min3A_1562, %sub3A_1561 : i32
    %ge3A_1564 = vector.broadcast %max3A_1559 : i32 to vector<16xi32>
    %ge3A_1565 = arith.cmpi sge, %add3A_1555, %ge3A_1564 : vector<16xi32>
    %le3A_1566 = vector.broadcast %min3A_1563 : i32 to vector<16xi32>
    %le3A_1567 = arith.cmpi sle, %add3A_1555, %le3A_1566 : vector<16xi32>
    %and3A_1568 = arith.andi %ge3A_1565, %le3A_1567 : vector<16xi1>
    %mul3A_1569 = arith.constant 19 : i32
    %mul3A_1570 = arith.muli %mul3A_1569, %add3A_1454 : i32
    %sub3A_1571 = arith.constant 1 : i32
    %sub3A_1572 = arith.subi %add3A_1454, %sub3A_1571 : i32
    %mul3A_1573 = arith.muli %add3A_1454, %sub3A_1572 : i32
    %jit3A_1574 = arith.constant 2 : i32
    %div3A_1575 = arith.divsi %mul3A_1573, %jit3A_1574 : i32
    %sign3A_1576 = arith.constant 0 : i32
    %sign3A_1577 = arith.cmpi sgt, %mul3A_1573, %sign3A_1576 : i32
    %sign3A_1578 = arith.extui %sign3A_1577 : i1 to i32
    %sign3A_1579 = arith.constant 0 : i32
    %sign3A_1580 = arith.cmpi slt, %mul3A_1573, %sign3A_1579 : i32
    %sign3A_1581 = arith.extui %sign3A_1580 : i1 to i32
    %sign3A_1582 = arith.subi %sign3A_1578, %sign3A_1581 : i32
    %sign3A_1583 = arith.constant 0 : i32
    %sign3A_1584 = arith.cmpi sgt, %jit3A_1574, %sign3A_1583 : i32
    %sign3A_1585 = arith.extui %sign3A_1584 : i1 to i32
    %sign3A_1586 = arith.constant 0 : i32
    %sign3A_1587 = arith.cmpi slt, %jit3A_1574, %sign3A_1586 : i32
    %sign3A_1588 = arith.extui %sign3A_1587 : i1 to i32
    %sign3A_1589 = arith.subi %sign3A_1585, %sign3A_1588 : i32
    %ne3A_1590 = arith.cmpi ne, %sign3A_1582, %sign3A_1589 : i32
    %rem3A_1591 = arith.remsi %mul3A_1573, %jit3A_1574 : i32
    %ne3A_1592 = arith.constant 0 : i32
    %ne3A_1593 = arith.cmpi ne, %rem3A_1591, %ne3A_1592 : i32
    %and3A_1594 = arith.andi %ne3A_1590, %ne3A_1593 : i1
    %sub3A_1595 = arith.constant 1 : i32
    %sub3A_1596 = arith.subi %div3A_1575, %sub3A_1595 : i32
    %select_n3A_1597 = arith.select %and3A_1594, %sub3A_1596, %div3A_1575 : i32
    %add3A_1598 = arith.addi %mul3A_1570, %select_n3A_1597 : i32
    %sub3A_1599 = arith.constant 18 : i32
    %sub3A_1600 = arith.subi %add3A_1454, %sub3A_1599 : i32
    %mul3A_1601 = arith.constant 37 : i32
    %mul3A_1602 = arith.muli %mul3A_1601, %sub3A_1600 : i32
    %add3A_1603 = arith.constant 495 : i32
    %add3A_1604 = arith.addi %add3A_1603, %mul3A_1602 : i32
    %sub3A_1605 = arith.constant 1 : i32
    %sub3A_1606 = arith.subi %sub3A_1600, %sub3A_1605 : i32
    %mul3A_1607 = arith.muli %sub3A_1600, %sub3A_1606 : i32
    %jit3A_1608 = arith.constant 2 : i32
    %div3A_1609 = arith.divsi %mul3A_1607, %jit3A_1608 : i32
    %sign3A_1610 = arith.constant 0 : i32
    %sign3A_1611 = arith.cmpi sgt, %mul3A_1607, %sign3A_1610 : i32
    %sign3A_1612 = arith.extui %sign3A_1611 : i1 to i32
    %sign3A_1613 = arith.constant 0 : i32
    %sign3A_1614 = arith.cmpi slt, %mul3A_1607, %sign3A_1613 : i32
    %sign3A_1615 = arith.extui %sign3A_1614 : i1 to i32
    %sign3A_1616 = arith.subi %sign3A_1612, %sign3A_1615 : i32
    %sign3A_1617 = arith.constant 0 : i32
    %sign3A_1618 = arith.cmpi sgt, %jit3A_1608, %sign3A_1617 : i32
    %sign3A_1619 = arith.extui %sign3A_1618 : i1 to i32
    %sign3A_1620 = arith.constant 0 : i32
    %sign3A_1621 = arith.cmpi slt, %jit3A_1608, %sign3A_1620 : i32
    %sign3A_1622 = arith.extui %sign3A_1621 : i1 to i32
    %sign3A_1623 = arith.subi %sign3A_1619, %sign3A_1622 : i32
    %ne3A_1624 = arith.cmpi ne, %sign3A_1616, %sign3A_1623 : i32
    %rem3A_1625 = arith.remsi %mul3A_1607, %jit3A_1608 : i32
    %ne3A_1626 = arith.constant 0 : i32
    %ne3A_1627 = arith.cmpi ne, %rem3A_1625, %ne3A_1626 : i32
    %and3A_1628 = arith.andi %ne3A_1624, %ne3A_1627 : i1
    %sub3A_1629 = arith.constant 1 : i32
    %sub3A_1630 = arith.subi %div3A_1609, %sub3A_1629 : i32
    %select_n3A_1631 = arith.select %and3A_1628, %sub3A_1630, %div3A_1609 : i32
    %sub3A_1632 = arith.subi %add3A_1604, %select_n3A_1631 : i32
    %le3A_1633 = arith.constant 18 : i32
    %le3A_1634 = arith.cmpi sle, %add3A_1454, %le3A_1633 : i32
    %select_n3A_1635 = arith.select %le3A_1634, %add3A_1598, %sub3A_1632 : i32
    %add3A_1636 = vector.broadcast %select_n3A_1635 : i32 to vector<16xi32>
    %add3A_1637 = arith.addi %add3A_1636, %add3A_1555 : vector<16xi32>
    %sub3A_1638 = vector.broadcast %max3A_1559 : i32 to vector<16xi32>
    %sub3A_1639 = arith.subi %add3A_1637, %sub3A_1638 : vector<16xi32>
    %jit3A_1640 = arith.constant 0 : i32
    %broadcast_in_dim3A_1641 = vector.broadcast %jit3A_1640 : i32 to vector<16xi32>
    %select_n3A_1642 = arith.select %and3A_1568, %sub3A_1639, %broadcast_in_dim3A_1641 : vector<16xi1>, vector<16xi32>
    %jit3A_1643 = arith.constant 0 : i32
    %jit3A_1644 = arith.constant 1038 : i32
    %max3A_1645 = vector.broadcast %jit3A_1643 : i32 to vector<16xi32>
    %max3A_1646 = arith.maxsi %max3A_1645, %select_n3A_1642 : vector<16xi32>
    %min3A_1647 = vector.broadcast %jit3A_1644 : i32 to vector<16xi32>
    %min3A_1648 = arith.minsi %min3A_1647, %max3A_1646 : vector<16xi32>
    %iota3A_1649 = tpu.iota {dimensions = array<i32: 0>} : vector<16xi32>
    %add3A_1650 = arith.constant 21 : i32
    %add3A_1651 = vector.broadcast %add3A_1650 : i32 to vector<16xi32>
    %add3A_1652 = arith.addi %add3A_1651, %iota3A_1649 : vector<16xi32>
    %sub3A_1653 = arith.constant 18 : i32
    %sub3A_1654 = arith.subi %sub3A_1653, %add3A_1454 : i32
    %max3A_1655 = arith.constant 0 : i32
    %max3A_1656 = arith.maxsi %sub3A_1654, %max3A_1655 : i32
    %sub3A_1657 = arith.constant 54 : i32
    %sub3A_1658 = arith.subi %sub3A_1657, %add3A_1454 : i32
    %min3A_1659 = arith.constant 36 : i32
    %min3A_1660 = arith.minsi %min3A_1659, %sub3A_1658 : i32
    %ge3A_1661 = vector.broadcast %max3A_1656 : i32 to vector<16xi32>
    %ge3A_1662 = arith.cmpi sge, %add3A_1652, %ge3A_1661 : vector<16xi32>
    %le3A_1663 = vector.broadcast %min3A_1660 : i32 to vector<16xi32>
    %le3A_1664 = arith.cmpi sle, %add3A_1652, %le3A_1663 : vector<16xi32>
    %and3A_1665 = arith.andi %ge3A_1662, %le3A_1664 : vector<16xi1>
    %mul3A_1666 = arith.constant 19 : i32
    %mul3A_1667 = arith.muli %mul3A_1666, %add3A_1454 : i32
    %sub3A_1668 = arith.constant 1 : i32
    %sub3A_1669 = arith.subi %add3A_1454, %sub3A_1668 : i32
    %mul3A_1670 = arith.muli %add3A_1454, %sub3A_1669 : i32
    %jit3A_1671 = arith.constant 2 : i32
    %div3A_1672 = arith.divsi %mul3A_1670, %jit3A_1671 : i32
    %sign3A_1673 = arith.constant 0 : i32
    %sign3A_1674 = arith.cmpi sgt, %mul3A_1670, %sign3A_1673 : i32
    %sign3A_1675 = arith.extui %sign3A_1674 : i1 to i32
    %sign3A_1676 = arith.constant 0 : i32
    %sign3A_1677 = arith.cmpi slt, %mul3A_1670, %sign3A_1676 : i32
    %sign3A_1678 = arith.extui %sign3A_1677 : i1 to i32
    %sign3A_1679 = arith.subi %sign3A_1675, %sign3A_1678 : i32
    %sign3A_1680 = arith.constant 0 : i32
    %sign3A_1681 = arith.cmpi sgt, %jit3A_1671, %sign3A_1680 : i32
    %sign3A_1682 = arith.extui %sign3A_1681 : i1 to i32
    %sign3A_1683 = arith.constant 0 : i32
    %sign3A_1684 = arith.cmpi slt, %jit3A_1671, %sign3A_1683 : i32
    %sign3A_1685 = arith.extui %sign3A_1684 : i1 to i32
    %sign3A_1686 = arith.subi %sign3A_1682, %sign3A_1685 : i32
    %ne3A_1687 = arith.cmpi ne, %sign3A_1679, %sign3A_1686 : i32
    %rem3A_1688 = arith.remsi %mul3A_1670, %jit3A_1671 : i32
    %ne3A_1689 = arith.constant 0 : i32
    %ne3A_1690 = arith.cmpi ne, %rem3A_1688, %ne3A_1689 : i32
    %and3A_1691 = arith.andi %ne3A_1687, %ne3A_1690 : i1
    %sub3A_1692 = arith.constant 1 : i32
    %sub3A_1693 = arith.subi %div3A_1672, %sub3A_1692 : i32
    %select_n3A_1694 = arith.select %and3A_1691, %sub3A_1693, %div3A_1672 : i32
    %add3A_1695 = arith.addi %mul3A_1667, %select_n3A_1694 : i32
    %sub3A_1696 = arith.constant 18 : i32
    %sub3A_1697 = arith.subi %add3A_1454, %sub3A_1696 : i32
    %mul3A_1698 = arith.constant 37 : i32
    %mul3A_1699 = arith.muli %mul3A_1698, %sub3A_1697 : i32
    %add3A_1700 = arith.constant 495 : i32
    %add3A_1701 = arith.addi %add3A_1700, %mul3A_1699 : i32
    %sub3A_1702 = arith.constant 1 : i32
    %sub3A_1703 = arith.subi %sub3A_1697, %sub3A_1702 : i32
    %mul3A_1704 = arith.muli %sub3A_1697, %sub3A_1703 : i32
    %jit3A_1705 = arith.constant 2 : i32
    %div3A_1706 = arith.divsi %mul3A_1704, %jit3A_1705 : i32
    %sign3A_1707 = arith.constant 0 : i32
    %sign3A_1708 = arith.cmpi sgt, %mul3A_1704, %sign3A_1707 : i32
    %sign3A_1709 = arith.extui %sign3A_1708 : i1 to i32
    %sign3A_1710 = arith.constant 0 : i32
    %sign3A_1711 = arith.cmpi slt, %mul3A_1704, %sign3A_1710 : i32
    %sign3A_1712 = arith.extui %sign3A_1711 : i1 to i32
    %sign3A_1713 = arith.subi %sign3A_1709, %sign3A_1712 : i32
    %sign3A_1714 = arith.constant 0 : i32
    %sign3A_1715 = arith.cmpi sgt, %jit3A_1705, %sign3A_1714 : i32
    %sign3A_1716 = arith.extui %sign3A_1715 : i1 to i32
    %sign3A_1717 = arith.constant 0 : i32
    %sign3A_1718 = arith.cmpi slt, %jit3A_1705, %sign3A_1717 : i32
    %sign3A_1719 = arith.extui %sign3A_1718 : i1 to i32
    %sign3A_1720 = arith.subi %sign3A_1716, %sign3A_1719 : i32
    %ne3A_1721 = arith.cmpi ne, %sign3A_1713, %sign3A_1720 : i32
    %rem3A_1722 = arith.remsi %mul3A_1704, %jit3A_1705 : i32
    %ne3A_1723 = arith.constant 0 : i32
    %ne3A_1724 = arith.cmpi ne, %rem3A_1722, %ne3A_1723 : i32
    %and3A_1725 = arith.andi %ne3A_1721, %ne3A_1724 : i1
    %sub3A_1726 = arith.constant 1 : i32
    %sub3A_1727 = arith.subi %div3A_1706, %sub3A_1726 : i32
    %select_n3A_1728 = arith.select %and3A_1725, %sub3A_1727, %div3A_1706 : i32
    %sub3A_1729 = arith.subi %add3A_1701, %select_n3A_1728 : i32
    %le3A_1730 = arith.constant 18 : i32
    %le3A_1731 = arith.cmpi sle, %add3A_1454, %le3A_1730 : i32
    %select_n3A_1732 = arith.select %le3A_1731, %add3A_1695, %sub3A_1729 : i32
    %add3A_1733 = vector.broadcast %select_n3A_1732 : i32 to vector<16xi32>
    %add3A_1734 = arith.addi %add3A_1733, %add3A_1652 : vector<16xi32>
    %sub3A_1735 = vector.broadcast %max3A_1656 : i32 to vector<16xi32>
    %sub3A_1736 = arith.subi %add3A_1734, %sub3A_1735 : vector<16xi32>
    %jit3A_1737 = arith.constant 0 : i32
    %broadcast_in_dim3A_1738 = vector.broadcast %jit3A_1737 : i32 to vector<16xi32>
    %select_n3A_1739 = arith.select %and3A_1665, %sub3A_1736, %broadcast_in_dim3A_1738 : vector<16xi1>, vector<16xi32>
    %jit3A_1740 = arith.constant 0 : i32
    %jit3A_1741 = arith.constant 1038 : i32
    %max3A_1742 = vector.broadcast %jit3A_1740 : i32 to vector<16xi32>
    %max3A_1743 = arith.maxsi %max3A_1742, %select_n3A_1739 : vector<16xi32>
    %min3A_1744 = vector.broadcast %jit3A_1741 : i32 to vector<16xi32>
    %min3A_1745 = arith.minsi %min3A_1744, %max3A_1743 : vector<16xi32>
    %add3A_1746 = arith.constant 6 : i32
    %add3A_1747 = arith.addi %mul3A_0, %add3A_1746 : i32
    %iota3A_1748 = tpu.iota {dimensions = array<i32: 0>} : vector<16xi32>
    %add3A_1749 = arith.constant 0 : i32
    %add3A_1750 = vector.broadcast %add3A_1749 : i32 to vector<16xi32>
    %add3A_1751 = arith.addi %add3A_1750, %iota3A_1748 : vector<16xi32>
    %sub3A_1752 = arith.constant 18 : i32
    %sub3A_1753 = arith.subi %sub3A_1752, %add3A_1747 : i32
    %max3A_1754 = arith.constant 0 : i32
    %max3A_1755 = arith.maxsi %sub3A_1753, %max3A_1754 : i32
    %sub3A_1756 = arith.constant 54 : i32
    %sub3A_1757 = arith.subi %sub3A_1756, %add3A_1747 : i32
    %min3A_1758 = arith.constant 36 : i32
    %min3A_1759 = arith.minsi %min3A_1758, %sub3A_1757 : i32
    %ge3A_1760 = vector.broadcast %max3A_1755 : i32 to vector<16xi32>
    %ge3A_1761 = arith.cmpi sge, %add3A_1751, %ge3A_1760 : vector<16xi32>
    %le3A_1762 = vector.broadcast %min3A_1759 : i32 to vector<16xi32>
    %le3A_1763 = arith.cmpi sle, %add3A_1751, %le3A_1762 : vector<16xi32>
    %and3A_1764 = arith.andi %ge3A_1761, %le3A_1763 : vector<16xi1>
    %mul3A_1765 = arith.constant 19 : i32
    %mul3A_1766 = arith.muli %mul3A_1765, %add3A_1747 : i32
    %sub3A_1767 = arith.constant 1 : i32
    %sub3A_1768 = arith.subi %add3A_1747, %sub3A_1767 : i32
    %mul3A_1769 = arith.muli %add3A_1747, %sub3A_1768 : i32
    %jit3A_1770 = arith.constant 2 : i32
    %div3A_1771 = arith.divsi %mul3A_1769, %jit3A_1770 : i32
    %sign3A_1772 = arith.constant 0 : i32
    %sign3A_1773 = arith.cmpi sgt, %mul3A_1769, %sign3A_1772 : i32
    %sign3A_1774 = arith.extui %sign3A_1773 : i1 to i32
    %sign3A_1775 = arith.constant 0 : i32
    %sign3A_1776 = arith.cmpi slt, %mul3A_1769, %sign3A_1775 : i32
    %sign3A_1777 = arith.extui %sign3A_1776 : i1 to i32
    %sign3A_1778 = arith.subi %sign3A_1774, %sign3A_1777 : i32
    %sign3A_1779 = arith.constant 0 : i32
    %sign3A_1780 = arith.cmpi sgt, %jit3A_1770, %sign3A_1779 : i32
    %sign3A_1781 = arith.extui %sign3A_1780 : i1 to i32
    %sign3A_1782 = arith.constant 0 : i32
    %sign3A_1783 = arith.cmpi slt, %jit3A_1770, %sign3A_1782 : i32
    %sign3A_1784 = arith.extui %sign3A_1783 : i1 to i32
    %sign3A_1785 = arith.subi %sign3A_1781, %sign3A_1784 : i32
    %ne3A_1786 = arith.cmpi ne, %sign3A_1778, %sign3A_1785 : i32
    %rem3A_1787 = arith.remsi %mul3A_1769, %jit3A_1770 : i32
    %ne3A_1788 = arith.constant 0 : i32
    %ne3A_1789 = arith.cmpi ne, %rem3A_1787, %ne3A_1788 : i32
    %and3A_1790 = arith.andi %ne3A_1786, %ne3A_1789 : i1
    %sub3A_1791 = arith.constant 1 : i32
    %sub3A_1792 = arith.subi %div3A_1771, %sub3A_1791 : i32
    %select_n3A_1793 = arith.select %and3A_1790, %sub3A_1792, %div3A_1771 : i32
    %add3A_1794 = arith.addi %mul3A_1766, %select_n3A_1793 : i32
    %sub3A_1795 = arith.constant 18 : i32
    %sub3A_1796 = arith.subi %add3A_1747, %sub3A_1795 : i32
    %mul3A_1797 = arith.constant 37 : i32
    %mul3A_1798 = arith.muli %mul3A_1797, %sub3A_1796 : i32
    %add3A_1799 = arith.constant 495 : i32
    %add3A_1800 = arith.addi %add3A_1799, %mul3A_1798 : i32
    %sub3A_1801 = arith.constant 1 : i32
    %sub3A_1802 = arith.subi %sub3A_1796, %sub3A_1801 : i32
    %mul3A_1803 = arith.muli %sub3A_1796, %sub3A_1802 : i32
    %jit3A_1804 = arith.constant 2 : i32
    %div3A_1805 = arith.divsi %mul3A_1803, %jit3A_1804 : i32
    %sign3A_1806 = arith.constant 0 : i32
    %sign3A_1807 = arith.cmpi sgt, %mul3A_1803, %sign3A_1806 : i32
    %sign3A_1808 = arith.extui %sign3A_1807 : i1 to i32
    %sign3A_1809 = arith.constant 0 : i32
    %sign3A_1810 = arith.cmpi slt, %mul3A_1803, %sign3A_1809 : i32
    %sign3A_1811 = arith.extui %sign3A_1810 : i1 to i32
    %sign3A_1812 = arith.subi %sign3A_1808, %sign3A_1811 : i32
    %sign3A_1813 = arith.constant 0 : i32
    %sign3A_1814 = arith.cmpi sgt, %jit3A_1804, %sign3A_1813 : i32
    %sign3A_1815 = arith.extui %sign3A_1814 : i1 to i32
    %sign3A_1816 = arith.constant 0 : i32
    %sign3A_1817 = arith.cmpi slt, %jit3A_1804, %sign3A_1816 : i32
    %sign3A_1818 = arith.extui %sign3A_1817 : i1 to i32
    %sign3A_1819 = arith.subi %sign3A_1815, %sign3A_1818 : i32
    %ne3A_1820 = arith.cmpi ne, %sign3A_1812, %sign3A_1819 : i32
    %rem3A_1821 = arith.remsi %mul3A_1803, %jit3A_1804 : i32
    %ne3A_1822 = arith.constant 0 : i32
    %ne3A_1823 = arith.cmpi ne, %rem3A_1821, %ne3A_1822 : i32
    %and3A_1824 = arith.andi %ne3A_1820, %ne3A_1823 : i1
    %sub3A_1825 = arith.constant 1 : i32
    %sub3A_1826 = arith.subi %div3A_1805, %sub3A_1825 : i32
    %select_n3A_1827 = arith.select %and3A_1824, %sub3A_1826, %div3A_1805 : i32
    %sub3A_1828 = arith.subi %add3A_1800, %select_n3A_1827 : i32
    %le3A_1829 = arith.constant 18 : i32
    %le3A_1830 = arith.cmpi sle, %add3A_1747, %le3A_1829 : i32
    %select_n3A_1831 = arith.select %le3A_1830, %add3A_1794, %sub3A_1828 : i32
    %add3A_1832 = vector.broadcast %select_n3A_1831 : i32 to vector<16xi32>
    %add3A_1833 = arith.addi %add3A_1832, %add3A_1751 : vector<16xi32>
    %sub3A_1834 = vector.broadcast %max3A_1755 : i32 to vector<16xi32>
    %sub3A_1835 = arith.subi %add3A_1833, %sub3A_1834 : vector<16xi32>
    %jit3A_1836 = arith.constant 0 : i32
    %broadcast_in_dim3A_1837 = vector.broadcast %jit3A_1836 : i32 to vector<16xi32>
    %select_n3A_1838 = arith.select %and3A_1764, %sub3A_1835, %broadcast_in_dim3A_1837 : vector<16xi1>, vector<16xi32>
    %jit3A_1839 = arith.constant 0 : i32
    %jit3A_1840 = arith.constant 1038 : i32
    %max3A_1841 = vector.broadcast %jit3A_1839 : i32 to vector<16xi32>
    %max3A_1842 = arith.maxsi %max3A_1841, %select_n3A_1838 : vector<16xi32>
    %min3A_1843 = vector.broadcast %jit3A_1840 : i32 to vector<16xi32>
    %min3A_1844 = arith.minsi %min3A_1843, %max3A_1842 : vector<16xi32>
    %iota3A_1845 = tpu.iota {dimensions = array<i32: 0>} : vector<16xi32>
    %add3A_1846 = arith.constant 16 : i32
    %add3A_1847 = vector.broadcast %add3A_1846 : i32 to vector<16xi32>
    %add3A_1848 = arith.addi %add3A_1847, %iota3A_1845 : vector<16xi32>
    %sub3A_1849 = arith.constant 18 : i32
    %sub3A_1850 = arith.subi %sub3A_1849, %add3A_1747 : i32
    %max3A_1851 = arith.constant 0 : i32
    %max3A_1852 = arith.maxsi %sub3A_1850, %max3A_1851 : i32
    %sub3A_1853 = arith.constant 54 : i32
    %sub3A_1854 = arith.subi %sub3A_1853, %add3A_1747 : i32
    %min3A_1855 = arith.constant 36 : i32
    %min3A_1856 = arith.minsi %min3A_1855, %sub3A_1854 : i32
    %ge3A_1857 = vector.broadcast %max3A_1852 : i32 to vector<16xi32>
    %ge3A_1858 = arith.cmpi sge, %add3A_1848, %ge3A_1857 : vector<16xi32>
    %le3A_1859 = vector.broadcast %min3A_1856 : i32 to vector<16xi32>
    %le3A_1860 = arith.cmpi sle, %add3A_1848, %le3A_1859 : vector<16xi32>
    %and3A_1861 = arith.andi %ge3A_1858, %le3A_1860 : vector<16xi1>
    %mul3A_1862 = arith.constant 19 : i32
    %mul3A_1863 = arith.muli %mul3A_1862, %add3A_1747 : i32
    %sub3A_1864 = arith.constant 1 : i32
    %sub3A_1865 = arith.subi %add3A_1747, %sub3A_1864 : i32
    %mul3A_1866 = arith.muli %add3A_1747, %sub3A_1865 : i32
    %jit3A_1867 = arith.constant 2 : i32
    %div3A_1868 = arith.divsi %mul3A_1866, %jit3A_1867 : i32
    %sign3A_1869 = arith.constant 0 : i32
    %sign3A_1870 = arith.cmpi sgt, %mul3A_1866, %sign3A_1869 : i32
    %sign3A_1871 = arith.extui %sign3A_1870 : i1 to i32
    %sign3A_1872 = arith.constant 0 : i32
    %sign3A_1873 = arith.cmpi slt, %mul3A_1866, %sign3A_1872 : i32
    %sign3A_1874 = arith.extui %sign3A_1873 : i1 to i32
    %sign3A_1875 = arith.subi %sign3A_1871, %sign3A_1874 : i32
    %sign3A_1876 = arith.constant 0 : i32
    %sign3A_1877 = arith.cmpi sgt, %jit3A_1867, %sign3A_1876 : i32
    %sign3A_1878 = arith.extui %sign3A_1877 : i1 to i32
    %sign3A_1879 = arith.constant 0 : i32
    %sign3A_1880 = arith.cmpi slt, %jit3A_1867, %sign3A_1879 : i32
    %sign3A_1881 = arith.extui %sign3A_1880 : i1 to i32
    %sign3A_1882 = arith.subi %sign3A_1878, %sign3A_1881 : i32
    %ne3A_1883 = arith.cmpi ne, %sign3A_1875, %sign3A_1882 : i32
    %rem3A_1884 = arith.remsi %mul3A_1866, %jit3A_1867 : i32
    %ne3A_1885 = arith.constant 0 : i32
    %ne3A_1886 = arith.cmpi ne, %rem3A_1884, %ne3A_1885 : i32
    %and3A_1887 = arith.andi %ne3A_1883, %ne3A_1886 : i1
    %sub3A_1888 = arith.constant 1 : i32
    %sub3A_1889 = arith.subi %div3A_1868, %sub3A_1888 : i32
    %select_n3A_1890 = arith.select %and3A_1887, %sub3A_1889, %div3A_1868 : i32
    %add3A_1891 = arith.addi %mul3A_1863, %select_n3A_1890 : i32
    %sub3A_1892 = arith.constant 18 : i32
    %sub3A_1893 = arith.subi %add3A_1747, %sub3A_1892 : i32
    %mul3A_1894 = arith.constant 37 : i32
    %mul3A_1895 = arith.muli %mul3A_1894, %sub3A_1893 : i32
    %add3A_1896 = arith.constant 495 : i32
    %add3A_1897 = arith.addi %add3A_1896, %mul3A_1895 : i32
    %sub3A_1898 = arith.constant 1 : i32
    %sub3A_1899 = arith.subi %sub3A_1893, %sub3A_1898 : i32
    %mul3A_1900 = arith.muli %sub3A_1893, %sub3A_1899 : i32
    %jit3A_1901 = arith.constant 2 : i32
    %div3A_1902 = arith.divsi %mul3A_1900, %jit3A_1901 : i32
    %sign3A_1903 = arith.constant 0 : i32
    %sign3A_1904 = arith.cmpi sgt, %mul3A_1900, %sign3A_1903 : i32
    %sign3A_1905 = arith.extui %sign3A_1904 : i1 to i32
    %sign3A_1906 = arith.constant 0 : i32
    %sign3A_1907 = arith.cmpi slt, %mul3A_1900, %sign3A_1906 : i32
    %sign3A_1908 = arith.extui %sign3A_1907 : i1 to i32
    %sign3A_1909 = arith.subi %sign3A_1905, %sign3A_1908 : i32
    %sign3A_1910 = arith.constant 0 : i32
    %sign3A_1911 = arith.cmpi sgt, %jit3A_1901, %sign3A_1910 : i32
    %sign3A_1912 = arith.extui %sign3A_1911 : i1 to i32
    %sign3A_1913 = arith.constant 0 : i32
    %sign3A_1914 = arith.cmpi slt, %jit3A_1901, %sign3A_1913 : i32
    %sign3A_1915 = arith.extui %sign3A_1914 : i1 to i32
    %sign3A_1916 = arith.subi %sign3A_1912, %sign3A_1915 : i32
    %ne3A_1917 = arith.cmpi ne, %sign3A_1909, %sign3A_1916 : i32
    %rem3A_1918 = arith.remsi %mul3A_1900, %jit3A_1901 : i32
    %ne3A_1919 = arith.constant 0 : i32
    %ne3A_1920 = arith.cmpi ne, %rem3A_1918, %ne3A_1919 : i32
    %and3A_1921 = arith.andi %ne3A_1917, %ne3A_1920 : i1
    %sub3A_1922 = arith.constant 1 : i32
    %sub3A_1923 = arith.subi %div3A_1902, %sub3A_1922 : i32
    %select_n3A_1924 = arith.select %and3A_1921, %sub3A_1923, %div3A_1902 : i32
    %sub3A_1925 = arith.subi %add3A_1897, %select_n3A_1924 : i32
    %le3A_1926 = arith.constant 18 : i32
    %le3A_1927 = arith.cmpi sle, %add3A_1747, %le3A_1926 : i32
    %select_n3A_1928 = arith.select %le3A_1927, %add3A_1891, %sub3A_1925 : i32
    %add3A_1929 = vector.broadcast %select_n3A_1928 : i32 to vector<16xi32>
    %add3A_1930 = arith.addi %add3A_1929, %add3A_1848 : vector<16xi32>
    %sub3A_1931 = vector.broadcast %max3A_1852 : i32 to vector<16xi32>
    %sub3A_1932 = arith.subi %add3A_1930, %sub3A_1931 : vector<16xi32>
    %jit3A_1933 = arith.constant 0 : i32
    %broadcast_in_dim3A_1934 = vector.broadcast %jit3A_1933 : i32 to vector<16xi32>
    %select_n3A_1935 = arith.select %and3A_1861, %sub3A_1932, %broadcast_in_dim3A_1934 : vector<16xi1>, vector<16xi32>
    %jit3A_1936 = arith.constant 0 : i32
    %jit3A_1937 = arith.constant 1038 : i32
    %max3A_1938 = vector.broadcast %jit3A_1936 : i32 to vector<16xi32>
    %max3A_1939 = arith.maxsi %max3A_1938, %select_n3A_1935 : vector<16xi32>
    %min3A_1940 = vector.broadcast %jit3A_1937 : i32 to vector<16xi32>
    %min3A_1941 = arith.minsi %min3A_1940, %max3A_1939 : vector<16xi32>
    %iota3A_1942 = tpu.iota {dimensions = array<i32: 0>} : vector<16xi32>
    %add3A_1943 = arith.constant 21 : i32
    %add3A_1944 = vector.broadcast %add3A_1943 : i32 to vector<16xi32>
    %add3A_1945 = arith.addi %add3A_1944, %iota3A_1942 : vector<16xi32>
    %sub3A_1946 = arith.constant 18 : i32
    %sub3A_1947 = arith.subi %sub3A_1946, %add3A_1747 : i32
    %max3A_1948 = arith.constant 0 : i32
    %max3A_1949 = arith.maxsi %sub3A_1947, %max3A_1948 : i32
    %sub3A_1950 = arith.constant 54 : i32
    %sub3A_1951 = arith.subi %sub3A_1950, %add3A_1747 : i32
    %min3A_1952 = arith.constant 36 : i32
    %min3A_1953 = arith.minsi %min3A_1952, %sub3A_1951 : i32
    %ge3A_1954 = vector.broadcast %max3A_1949 : i32 to vector<16xi32>
    %ge3A_1955 = arith.cmpi sge, %add3A_1945, %ge3A_1954 : vector<16xi32>
    %le3A_1956 = vector.broadcast %min3A_1953 : i32 to vector<16xi32>
    %le3A_1957 = arith.cmpi sle, %add3A_1945, %le3A_1956 : vector<16xi32>
    %and3A_1958 = arith.andi %ge3A_1955, %le3A_1957 : vector<16xi1>
    %mul3A_1959 = arith.constant 19 : i32
    %mul3A_1960 = arith.muli %mul3A_1959, %add3A_1747 : i32
    %sub3A_1961 = arith.constant 1 : i32
    %sub3A_1962 = arith.subi %add3A_1747, %sub3A_1961 : i32
    %mul3A_1963 = arith.muli %add3A_1747, %sub3A_1962 : i32
    %jit3A_1964 = arith.constant 2 : i32
    %div3A_1965 = arith.divsi %mul3A_1963, %jit3A_1964 : i32
    %sign3A_1966 = arith.constant 0 : i32
    %sign3A_1967 = arith.cmpi sgt, %mul3A_1963, %sign3A_1966 : i32
    %sign3A_1968 = arith.extui %sign3A_1967 : i1 to i32
    %sign3A_1969 = arith.constant 0 : i32
    %sign3A_1970 = arith.cmpi slt, %mul3A_1963, %sign3A_1969 : i32
    %sign3A_1971 = arith.extui %sign3A_1970 : i1 to i32
    %sign3A_1972 = arith.subi %sign3A_1968, %sign3A_1971 : i32
    %sign3A_1973 = arith.constant 0 : i32
    %sign3A_1974 = arith.cmpi sgt, %jit3A_1964, %sign3A_1973 : i32
    %sign3A_1975 = arith.extui %sign3A_1974 : i1 to i32
    %sign3A_1976 = arith.constant 0 : i32
    %sign3A_1977 = arith.cmpi slt, %jit3A_1964, %sign3A_1976 : i32
    %sign3A_1978 = arith.extui %sign3A_1977 : i1 to i32
    %sign3A_1979 = arith.subi %sign3A_1975, %sign3A_1978 : i32
    %ne3A_1980 = arith.cmpi ne, %sign3A_1972, %sign3A_1979 : i32
    %rem3A_1981 = arith.remsi %mul3A_1963, %jit3A_1964 : i32
    %ne3A_1982 = arith.constant 0 : i32
    %ne3A_1983 = arith.cmpi ne, %rem3A_1981, %ne3A_1982 : i32
    %and3A_1984 = arith.andi %ne3A_1980, %ne3A_1983 : i1
    %sub3A_1985 = arith.constant 1 : i32
    %sub3A_1986 = arith.subi %div3A_1965, %sub3A_1985 : i32
    %select_n3A_1987 = arith.select %and3A_1984, %sub3A_1986, %div3A_1965 : i32
    %add3A_1988 = arith.addi %mul3A_1960, %select_n3A_1987 : i32
    %sub3A_1989 = arith.constant 18 : i32
    %sub3A_1990 = arith.subi %add3A_1747, %sub3A_1989 : i32
    %mul3A_1991 = arith.constant 37 : i32
    %mul3A_1992 = arith.muli %mul3A_1991, %sub3A_1990 : i32
    %add3A_1993 = arith.constant 495 : i32
    %add3A_1994 = arith.addi %add3A_1993, %mul3A_1992 : i32
    %sub3A_1995 = arith.constant 1 : i32
    %sub3A_1996 = arith.subi %sub3A_1990, %sub3A_1995 : i32
    %mul3A_1997 = arith.muli %sub3A_1990, %sub3A_1996 : i32
    %jit3A_1998 = arith.constant 2 : i32
    %div3A_1999 = arith.divsi %mul3A_1997, %jit3A_1998 : i32
    %sign3A_2000 = arith.constant 0 : i32
    %sign3A_2001 = arith.cmpi sgt, %mul3A_1997, %sign3A_2000 : i32
    %sign3A_2002 = arith.extui %sign3A_2001 : i1 to i32
    %sign3A_2003 = arith.constant 0 : i32
    %sign3A_2004 = arith.cmpi slt, %mul3A_1997, %sign3A_2003 : i32
    %sign3A_2005 = arith.extui %sign3A_2004 : i1 to i32
    %sign3A_2006 = arith.subi %sign3A_2002, %sign3A_2005 : i32
    %sign3A_2007 = arith.constant 0 : i32
    %sign3A_2008 = arith.cmpi sgt, %jit3A_1998, %sign3A_2007 : i32
    %sign3A_2009 = arith.extui %sign3A_2008 : i1 to i32
    %sign3A_2010 = arith.constant 0 : i32
    %sign3A_2011 = arith.cmpi slt, %jit3A_1998, %sign3A_2010 : i32
    %sign3A_2012 = arith.extui %sign3A_2011 : i1 to i32
    %sign3A_2013 = arith.subi %sign3A_2009, %sign3A_2012 : i32
    %ne3A_2014 = arith.cmpi ne, %sign3A_2006, %sign3A_2013 : i32
    %rem3A_2015 = arith.remsi %mul3A_1997, %jit3A_1998 : i32
    %ne3A_2016 = arith.constant 0 : i32
    %ne3A_2017 = arith.cmpi ne, %rem3A_2015, %ne3A_2016 : i32
    %and3A_2018 = arith.andi %ne3A_2014, %ne3A_2017 : i1
    %sub3A_2019 = arith.constant 1 : i32
    %sub3A_2020 = arith.subi %div3A_1999, %sub3A_2019 : i32
    %select_n3A_2021 = arith.select %and3A_2018, %sub3A_2020, %div3A_1999 : i32
    %sub3A_2022 = arith.subi %add3A_1994, %select_n3A_2021 : i32
    %le3A_2023 = arith.constant 18 : i32
    %le3A_2024 = arith.cmpi sle, %add3A_1747, %le3A_2023 : i32
    %select_n3A_2025 = arith.select %le3A_2024, %add3A_1988, %sub3A_2022 : i32
    %add3A_2026 = vector.broadcast %select_n3A_2025 : i32 to vector<16xi32>
    %add3A_2027 = arith.addi %add3A_2026, %add3A_1945 : vector<16xi32>
    %sub3A_2028 = vector.broadcast %max3A_1949 : i32 to vector<16xi32>
    %sub3A_2029 = arith.subi %add3A_2027, %sub3A_2028 : vector<16xi32>
    %jit3A_2030 = arith.constant 0 : i32
    %broadcast_in_dim3A_2031 = vector.broadcast %jit3A_2030 : i32 to vector<16xi32>
    %select_n3A_2032 = arith.select %and3A_1958, %sub3A_2029, %broadcast_in_dim3A_2031 : vector<16xi1>, vector<16xi32>
    %jit3A_2033 = arith.constant 0 : i32
    %jit3A_2034 = arith.constant 1038 : i32
    %max3A_2035 = vector.broadcast %jit3A_2033 : i32 to vector<16xi32>
    %max3A_2036 = arith.maxsi %max3A_2035, %select_n3A_2032 : vector<16xi32>
    %min3A_2037 = vector.broadcast %jit3A_2034 : i32 to vector<16xi32>
    %min3A_2038 = arith.minsi %min3A_2037, %max3A_2036 : vector<16xi32>
    %add3A_2039 = arith.constant 7 : i32
    %add3A_2040 = arith.addi %mul3A_0, %add3A_2039 : i32
    %iota3A_2041 = tpu.iota {dimensions = array<i32: 0>} : vector<16xi32>
    %add3A_2042 = arith.constant 0 : i32
    %add3A_2043 = vector.broadcast %add3A_2042 : i32 to vector<16xi32>
    %add3A_2044 = arith.addi %add3A_2043, %iota3A_2041 : vector<16xi32>
    %sub3A_2045 = arith.constant 18 : i32
    %sub3A_2046 = arith.subi %sub3A_2045, %add3A_2040 : i32
    %max3A_2047 = arith.constant 0 : i32
    %max3A_2048 = arith.maxsi %sub3A_2046, %max3A_2047 : i32
    %sub3A_2049 = arith.constant 54 : i32
    %sub3A_2050 = arith.subi %sub3A_2049, %add3A_2040 : i32
    %min3A_2051 = arith.constant 36 : i32
    %min3A_2052 = arith.minsi %min3A_2051, %sub3A_2050 : i32
    %ge3A_2053 = vector.broadcast %max3A_2048 : i32 to vector<16xi32>
    %ge3A_2054 = arith.cmpi sge, %add3A_2044, %ge3A_2053 : vector<16xi32>
    %le3A_2055 = vector.broadcast %min3A_2052 : i32 to vector<16xi32>
    %le3A_2056 = arith.cmpi sle, %add3A_2044, %le3A_2055 : vector<16xi32>
    %and3A_2057 = arith.andi %ge3A_2054, %le3A_2056 : vector<16xi1>
    %mul3A_2058 = arith.constant 19 : i32
    %mul3A_2059 = arith.muli %mul3A_2058, %add3A_2040 : i32
    %sub3A_2060 = arith.constant 1 : i32
    %sub3A_2061 = arith.subi %add3A_2040, %sub3A_2060 : i32
    %mul3A_2062 = arith.muli %add3A_2040, %sub3A_2061 : i32
    %jit3A_2063 = arith.constant 2 : i32
    %div3A_2064 = arith.divsi %mul3A_2062, %jit3A_2063 : i32
    %sign3A_2065 = arith.constant 0 : i32
    %sign3A_2066 = arith.cmpi sgt, %mul3A_2062, %sign3A_2065 : i32
    %sign3A_2067 = arith.extui %sign3A_2066 : i1 to i32
    %sign3A_2068 = arith.constant 0 : i32
    %sign3A_2069 = arith.cmpi slt, %mul3A_2062, %sign3A_2068 : i32
    %sign3A_2070 = arith.extui %sign3A_2069 : i1 to i32
    %sign3A_2071 = arith.subi %sign3A_2067, %sign3A_2070 : i32
    %sign3A_2072 = arith.constant 0 : i32
    %sign3A_2073 = arith.cmpi sgt, %jit3A_2063, %sign3A_2072 : i32
    %sign3A_2074 = arith.extui %sign3A_2073 : i1 to i32
    %sign3A_2075 = arith.constant 0 : i32
    %sign3A_2076 = arith.cmpi slt, %jit3A_2063, %sign3A_2075 : i32
    %sign3A_2077 = arith.extui %sign3A_2076 : i1 to i32
    %sign3A_2078 = arith.subi %sign3A_2074, %sign3A_2077 : i32
    %ne3A_2079 = arith.cmpi ne, %sign3A_2071, %sign3A_2078 : i32
    %rem3A_2080 = arith.remsi %mul3A_2062, %jit3A_2063 : i32
    %ne3A_2081 = arith.constant 0 : i32
    %ne3A_2082 = arith.cmpi ne, %rem3A_2080, %ne3A_2081 : i32
    %and3A_2083 = arith.andi %ne3A_2079, %ne3A_2082 : i1
    %sub3A_2084 = arith.constant 1 : i32
    %sub3A_2085 = arith.subi %div3A_2064, %sub3A_2084 : i32
    %select_n3A_2086 = arith.select %and3A_2083, %sub3A_2085, %div3A_2064 : i32
    %add3A_2087 = arith.addi %mul3A_2059, %select_n3A_2086 : i32
    %sub3A_2088 = arith.constant 18 : i32
    %sub3A_2089 = arith.subi %add3A_2040, %sub3A_2088 : i32
    %mul3A_2090 = arith.constant 37 : i32
    %mul3A_2091 = arith.muli %mul3A_2090, %sub3A_2089 : i32
    %add3A_2092 = arith.constant 495 : i32
    %add3A_2093 = arith.addi %add3A_2092, %mul3A_2091 : i32
    %sub3A_2094 = arith.constant 1 : i32
    %sub3A_2095 = arith.subi %sub3A_2089, %sub3A_2094 : i32
    %mul3A_2096 = arith.muli %sub3A_2089, %sub3A_2095 : i32
    %jit3A_2097 = arith.constant 2 : i32
    %div3A_2098 = arith.divsi %mul3A_2096, %jit3A_2097 : i32
    %sign3A_2099 = arith.constant 0 : i32
    %sign3A_2100 = arith.cmpi sgt, %mul3A_2096, %sign3A_2099 : i32
    %sign3A_2101 = arith.extui %sign3A_2100 : i1 to i32
    %sign3A_2102 = arith.constant 0 : i32
    %sign3A_2103 = arith.cmpi slt, %mul3A_2096, %sign3A_2102 : i32
    %sign3A_2104 = arith.extui %sign3A_2103 : i1 to i32
    %sign3A_2105 = arith.subi %sign3A_2101, %sign3A_2104 : i32
    %sign3A_2106 = arith.constant 0 : i32
    %sign3A_2107 = arith.cmpi sgt, %jit3A_2097, %sign3A_2106 : i32
    %sign3A_2108 = arith.extui %sign3A_2107 : i1 to i32
    %sign3A_2109 = arith.constant 0 : i32
    %sign3A_2110 = arith.cmpi slt, %jit3A_2097, %sign3A_2109 : i32
    %sign3A_2111 = arith.extui %sign3A_2110 : i1 to i32
    %sign3A_2112 = arith.subi %sign3A_2108, %sign3A_2111 : i32
    %ne3A_2113 = arith.cmpi ne, %sign3A_2105, %sign3A_2112 : i32
    %rem3A_2114 = arith.remsi %mul3A_2096, %jit3A_2097 : i32
    %ne3A_2115 = arith.constant 0 : i32
    %ne3A_2116 = arith.cmpi ne, %rem3A_2114, %ne3A_2115 : i32
    %and3A_2117 = arith.andi %ne3A_2113, %ne3A_2116 : i1
    %sub3A_2118 = arith.constant 1 : i32
    %sub3A_2119 = arith.subi %div3A_2098, %sub3A_2118 : i32
    %select_n3A_2120 = arith.select %and3A_2117, %sub3A_2119, %div3A_2098 : i32
    %sub3A_2121 = arith.subi %add3A_2093, %select_n3A_2120 : i32
    %le3A_2122 = arith.constant 18 : i32
    %le3A_2123 = arith.cmpi sle, %add3A_2040, %le3A_2122 : i32
    %select_n3A_2124 = arith.select %le3A_2123, %add3A_2087, %sub3A_2121 : i32
    %add3A_2125 = vector.broadcast %select_n3A_2124 : i32 to vector<16xi32>
    %add3A_2126 = arith.addi %add3A_2125, %add3A_2044 : vector<16xi32>
    %sub3A_2127 = vector.broadcast %max3A_2048 : i32 to vector<16xi32>
    %sub3A_2128 = arith.subi %add3A_2126, %sub3A_2127 : vector<16xi32>
    %jit3A_2129 = arith.constant 0 : i32
    %broadcast_in_dim3A_2130 = vector.broadcast %jit3A_2129 : i32 to vector<16xi32>
    %select_n3A_2131 = arith.select %and3A_2057, %sub3A_2128, %broadcast_in_dim3A_2130 : vector<16xi1>, vector<16xi32>
    %jit3A_2132 = arith.constant 0 : i32
    %jit3A_2133 = arith.constant 1038 : i32
    %max3A_2134 = vector.broadcast %jit3A_2132 : i32 to vector<16xi32>
    %max3A_2135 = arith.maxsi %max3A_2134, %select_n3A_2131 : vector<16xi32>
    %min3A_2136 = vector.broadcast %jit3A_2133 : i32 to vector<16xi32>
    %min3A_2137 = arith.minsi %min3A_2136, %max3A_2135 : vector<16xi32>
    %iota3A_2138 = tpu.iota {dimensions = array<i32: 0>} : vector<16xi32>
    %add3A_2139 = arith.constant 16 : i32
    %add3A_2140 = vector.broadcast %add3A_2139 : i32 to vector<16xi32>
    %add3A_2141 = arith.addi %add3A_2140, %iota3A_2138 : vector<16xi32>
    %sub3A_2142 = arith.constant 18 : i32
    %sub3A_2143 = arith.subi %sub3A_2142, %add3A_2040 : i32
    %max3A_2144 = arith.constant 0 : i32
    %max3A_2145 = arith.maxsi %sub3A_2143, %max3A_2144 : i32
    %sub3A_2146 = arith.constant 54 : i32
    %sub3A_2147 = arith.subi %sub3A_2146, %add3A_2040 : i32
    %min3A_2148 = arith.constant 36 : i32
    %min3A_2149 = arith.minsi %min3A_2148, %sub3A_2147 : i32
    %ge3A_2150 = vector.broadcast %max3A_2145 : i32 to vector<16xi32>
    %ge3A_2151 = arith.cmpi sge, %add3A_2141, %ge3A_2150 : vector<16xi32>
    %le3A_2152 = vector.broadcast %min3A_2149 : i32 to vector<16xi32>
    %le3A_2153 = arith.cmpi sle, %add3A_2141, %le3A_2152 : vector<16xi32>
    %and3A_2154 = arith.andi %ge3A_2151, %le3A_2153 : vector<16xi1>
    %mul3A_2155 = arith.constant 19 : i32
    %mul3A_2156 = arith.muli %mul3A_2155, %add3A_2040 : i32
    %sub3A_2157 = arith.constant 1 : i32
    %sub3A_2158 = arith.subi %add3A_2040, %sub3A_2157 : i32
    %mul3A_2159 = arith.muli %add3A_2040, %sub3A_2158 : i32
    %jit3A_2160 = arith.constant 2 : i32
    %div3A_2161 = arith.divsi %mul3A_2159, %jit3A_2160 : i32
    %sign3A_2162 = arith.constant 0 : i32
    %sign3A_2163 = arith.cmpi sgt, %mul3A_2159, %sign3A_2162 : i32
    %sign3A_2164 = arith.extui %sign3A_2163 : i1 to i32
    %sign3A_2165 = arith.constant 0 : i32
    %sign3A_2166 = arith.cmpi slt, %mul3A_2159, %sign3A_2165 : i32
    %sign3A_2167 = arith.extui %sign3A_2166 : i1 to i32
    %sign3A_2168 = arith.subi %sign3A_2164, %sign3A_2167 : i32
    %sign3A_2169 = arith.constant 0 : i32
    %sign3A_2170 = arith.cmpi sgt, %jit3A_2160, %sign3A_2169 : i32
    %sign3A_2171 = arith.extui %sign3A_2170 : i1 to i32
    %sign3A_2172 = arith.constant 0 : i32
    %sign3A_2173 = arith.cmpi slt, %jit3A_2160, %sign3A_2172 : i32
    %sign3A_2174 = arith.extui %sign3A_2173 : i1 to i32
    %sign3A_2175 = arith.subi %sign3A_2171, %sign3A_2174 : i32
    %ne3A_2176 = arith.cmpi ne, %sign3A_2168, %sign3A_2175 : i32
    %rem3A_2177 = arith.remsi %mul3A_2159, %jit3A_2160 : i32
    %ne3A_2178 = arith.constant 0 : i32
    %ne3A_2179 = arith.cmpi ne, %rem3A_2177, %ne3A_2178 : i32
    %and3A_2180 = arith.andi %ne3A_2176, %ne3A_2179 : i1
    %sub3A_2181 = arith.constant 1 : i32
    %sub3A_2182 = arith.subi %div3A_2161, %sub3A_2181 : i32
    %select_n3A_2183 = arith.select %and3A_2180, %sub3A_2182, %div3A_2161 : i32
    %add3A_2184 = arith.addi %mul3A_2156, %select_n3A_2183 : i32
    %sub3A_2185 = arith.constant 18 : i32
    %sub3A_2186 = arith.subi %add3A_2040, %sub3A_2185 : i32
    %mul3A_2187 = arith.constant 37 : i32
    %mul3A_2188 = arith.muli %mul3A_2187, %sub3A_2186 : i32
    %add3A_2189 = arith.constant 495 : i32
    %add3A_2190 = arith.addi %add3A_2189, %mul3A_2188 : i32
    %sub3A_2191 = arith.constant 1 : i32
    %sub3A_2192 = arith.subi %sub3A_2186, %sub3A_2191 : i32
    %mul3A_2193 = arith.muli %sub3A_2186, %sub3A_2192 : i32
    %jit3A_2194 = arith.constant 2 : i32
    %div3A_2195 = arith.divsi %mul3A_2193, %jit3A_2194 : i32
    %sign3A_2196 = arith.constant 0 : i32
    %sign3A_2197 = arith.cmpi sgt, %mul3A_2193, %sign3A_2196 : i32
    %sign3A_2198 = arith.extui %sign3A_2197 : i1 to i32
    %sign3A_2199 = arith.constant 0 : i32
    %sign3A_2200 = arith.cmpi slt, %mul3A_2193, %sign3A_2199 : i32
    %sign3A_2201 = arith.extui %sign3A_2200 : i1 to i32
    %sign3A_2202 = arith.subi %sign3A_2198, %sign3A_2201 : i32
    %sign3A_2203 = arith.constant 0 : i32
    %sign3A_2204 = arith.cmpi sgt, %jit3A_2194, %sign3A_2203 : i32
    %sign3A_2205 = arith.extui %sign3A_2204 : i1 to i32
    %sign3A_2206 = arith.constant 0 : i32
    %sign3A_2207 = arith.cmpi slt, %jit3A_2194, %sign3A_2206 : i32
    %sign3A_2208 = arith.extui %sign3A_2207 : i1 to i32
    %sign3A_2209 = arith.subi %sign3A_2205, %sign3A_2208 : i32
    %ne3A_2210 = arith.cmpi ne, %sign3A_2202, %sign3A_2209 : i32
    %rem3A_2211 = arith.remsi %mul3A_2193, %jit3A_2194 : i32
    %ne3A_2212 = arith.constant 0 : i32
    %ne3A_2213 = arith.cmpi ne, %rem3A_2211, %ne3A_2212 : i32
    %and3A_2214 = arith.andi %ne3A_2210, %ne3A_2213 : i1
    %sub3A_2215 = arith.constant 1 : i32
    %sub3A_2216 = arith.subi %div3A_2195, %sub3A_2215 : i32
    %select_n3A_2217 = arith.select %and3A_2214, %sub3A_2216, %div3A_2195 : i32
    %sub3A_2218 = arith.subi %add3A_2190, %select_n3A_2217 : i32
    %le3A_2219 = arith.constant 18 : i32
    %le3A_2220 = arith.cmpi sle, %add3A_2040, %le3A_2219 : i32
    %select_n3A_2221 = arith.select %le3A_2220, %add3A_2184, %sub3A_2218 : i32
    %add3A_2222 = vector.broadcast %select_n3A_2221 : i32 to vector<16xi32>
    %add3A_2223 = arith.addi %add3A_2222, %add3A_2141 : vector<16xi32>
    %sub3A_2224 = vector.broadcast %max3A_2145 : i32 to vector<16xi32>
    %sub3A_2225 = arith.subi %add3A_2223, %sub3A_2224 : vector<16xi32>
    %jit3A_2226 = arith.constant 0 : i32
    %broadcast_in_dim3A_2227 = vector.broadcast %jit3A_2226 : i32 to vector<16xi32>
    %select_n3A_2228 = arith.select %and3A_2154, %sub3A_2225, %broadcast_in_dim3A_2227 : vector<16xi1>, vector<16xi32>
    %jit3A_2229 = arith.constant 0 : i32
    %jit3A_2230 = arith.constant 1038 : i32
    %max3A_2231 = vector.broadcast %jit3A_2229 : i32 to vector<16xi32>
    %max3A_2232 = arith.maxsi %max3A_2231, %select_n3A_2228 : vector<16xi32>
    %min3A_2233 = vector.broadcast %jit3A_2230 : i32 to vector<16xi32>
    %min3A_2234 = arith.minsi %min3A_2233, %max3A_2232 : vector<16xi32>
    %iota3A_2235 = tpu.iota {dimensions = array<i32: 0>} : vector<16xi32>
    %add3A_2236 = arith.constant 21 : i32
    %add3A_2237 = vector.broadcast %add3A_2236 : i32 to vector<16xi32>
    %add3A_2238 = arith.addi %add3A_2237, %iota3A_2235 : vector<16xi32>
    %sub3A_2239 = arith.constant 18 : i32
    %sub3A_2240 = arith.subi %sub3A_2239, %add3A_2040 : i32
    %max3A_2241 = arith.constant 0 : i32
    %max3A_2242 = arith.maxsi %sub3A_2240, %max3A_2241 : i32
    %sub3A_2243 = arith.constant 54 : i32
    %sub3A_2244 = arith.subi %sub3A_2243, %add3A_2040 : i32
    %min3A_2245 = arith.constant 36 : i32
    %min3A_2246 = arith.minsi %min3A_2245, %sub3A_2244 : i32
    %ge3A_2247 = vector.broadcast %max3A_2242 : i32 to vector<16xi32>
    %ge3A_2248 = arith.cmpi sge, %add3A_2238, %ge3A_2247 : vector<16xi32>
    %le3A_2249 = vector.broadcast %min3A_2246 : i32 to vector<16xi32>
    %le3A_2250 = arith.cmpi sle, %add3A_2238, %le3A_2249 : vector<16xi32>
    %and3A_2251 = arith.andi %ge3A_2248, %le3A_2250 : vector<16xi1>
    %mul3A_2252 = arith.constant 19 : i32
    %mul3A_2253 = arith.muli %mul3A_2252, %add3A_2040 : i32
    %sub3A_2254 = arith.constant 1 : i32
    %sub3A_2255 = arith.subi %add3A_2040, %sub3A_2254 : i32
    %mul3A_2256 = arith.muli %add3A_2040, %sub3A_2255 : i32
    %jit3A_2257 = arith.constant 2 : i32
    %div3A_2258 = arith.divsi %mul3A_2256, %jit3A_2257 : i32
    %sign3A_2259 = arith.constant 0 : i32
    %sign3A_2260 = arith.cmpi sgt, %mul3A_2256, %sign3A_2259 : i32
    %sign3A_2261 = arith.extui %sign3A_2260 : i1 to i32
    %sign3A_2262 = arith.constant 0 : i32
    %sign3A_2263 = arith.cmpi slt, %mul3A_2256, %sign3A_2262 : i32
    %sign3A_2264 = arith.extui %sign3A_2263 : i1 to i32
    %sign3A_2265 = arith.subi %sign3A_2261, %sign3A_2264 : i32
    %sign3A_2266 = arith.constant 0 : i32
    %sign3A_2267 = arith.cmpi sgt, %jit3A_2257, %sign3A_2266 : i32
    %sign3A_2268 = arith.extui %sign3A_2267 : i1 to i32
    %sign3A_2269 = arith.constant 0 : i32
    %sign3A_2270 = arith.cmpi slt, %jit3A_2257, %sign3A_2269 : i32
    %sign3A_2271 = arith.extui %sign3A_2270 : i1 to i32
    %sign3A_2272 = arith.subi %sign3A_2268, %sign3A_2271 : i32
    %ne3A_2273 = arith.cmpi ne, %sign3A_2265, %sign3A_2272 : i32
    %rem3A_2274 = arith.remsi %mul3A_2256, %jit3A_2257 : i32
    %ne3A_2275 = arith.constant 0 : i32
    %ne3A_2276 = arith.cmpi ne, %rem3A_2274, %ne3A_2275 : i32
    %and3A_2277 = arith.andi %ne3A_2273, %ne3A_2276 : i1
    %sub3A_2278 = arith.constant 1 : i32
    %sub3A_2279 = arith.subi %div3A_2258, %sub3A_2278 : i32
    %select_n3A_2280 = arith.select %and3A_2277, %sub3A_2279, %div3A_2258 : i32
    %add3A_2281 = arith.addi %mul3A_2253, %select_n3A_2280 : i32
    %sub3A_2282 = arith.constant 18 : i32
    %sub3A_2283 = arith.subi %add3A_2040, %sub3A_2282 : i32
    %mul3A_2284 = arith.constant 37 : i32
    %mul3A_2285 = arith.muli %mul3A_2284, %sub3A_2283 : i32
    %add3A_2286 = arith.constant 495 : i32
    %add3A_2287 = arith.addi %add3A_2286, %mul3A_2285 : i32
    %sub3A_2288 = arith.constant 1 : i32
    %sub3A_2289 = arith.subi %sub3A_2283, %sub3A_2288 : i32
    %mul3A_2290 = arith.muli %sub3A_2283, %sub3A_2289 : i32
    %jit3A_2291 = arith.constant 2 : i32
    %div3A_2292 = arith.divsi %mul3A_2290, %jit3A_2291 : i32
    %sign3A_2293 = arith.constant 0 : i32
    %sign3A_2294 = arith.cmpi sgt, %mul3A_2290, %sign3A_2293 : i32
    %sign3A_2295 = arith.extui %sign3A_2294 : i1 to i32
    %sign3A_2296 = arith.constant 0 : i32
    %sign3A_2297 = arith.cmpi slt, %mul3A_2290, %sign3A_2296 : i32
    %sign3A_2298 = arith.extui %sign3A_2297 : i1 to i32
    %sign3A_2299 = arith.subi %sign3A_2295, %sign3A_2298 : i32
    %sign3A_2300 = arith.constant 0 : i32
    %sign3A_2301 = arith.cmpi sgt, %jit3A_2291, %sign3A_2300 : i32
    %sign3A_2302 = arith.extui %sign3A_2301 : i1 to i32
    %sign3A_2303 = arith.constant 0 : i32
    %sign3A_2304 = arith.cmpi slt, %jit3A_2291, %sign3A_2303 : i32
    %sign3A_2305 = arith.extui %sign3A_2304 : i1 to i32
    %sign3A_2306 = arith.subi %sign3A_2302, %sign3A_2305 : i32
    %ne3A_2307 = arith.cmpi ne, %sign3A_2299, %sign3A_2306 : i32
    %rem3A_2308 = arith.remsi %mul3A_2290, %jit3A_2291 : i32
    %ne3A_2309 = arith.constant 0 : i32
    %ne3A_2310 = arith.cmpi ne, %rem3A_2308, %ne3A_2309 : i32
    %and3A_2311 = arith.andi %ne3A_2307, %ne3A_2310 : i1
    %sub3A_2312 = arith.constant 1 : i32
    %sub3A_2313 = arith.subi %div3A_2292, %sub3A_2312 : i32
    %select_n3A_2314 = arith.select %and3A_2311, %sub3A_2313, %div3A_2292 : i32
    %sub3A_2315 = arith.subi %add3A_2287, %select_n3A_2314 : i32
    %le3A_2316 = arith.constant 18 : i32
    %le3A_2317 = arith.cmpi sle, %add3A_2040, %le3A_2316 : i32
    %select_n3A_2318 = arith.select %le3A_2317, %add3A_2281, %sub3A_2315 : i32
    %add3A_2319 = vector.broadcast %select_n3A_2318 : i32 to vector<16xi32>
    %add3A_2320 = arith.addi %add3A_2319, %add3A_2238 : vector<16xi32>
    %sub3A_2321 = vector.broadcast %max3A_2242 : i32 to vector<16xi32>
    %sub3A_2322 = arith.subi %add3A_2320, %sub3A_2321 : vector<16xi32>
    %jit3A_2323 = arith.constant 0 : i32
    %broadcast_in_dim3A_2324 = vector.broadcast %jit3A_2323 : i32 to vector<16xi32>
    %select_n3A_2325 = arith.select %and3A_2251, %sub3A_2322, %broadcast_in_dim3A_2324 : vector<16xi1>, vector<16xi32>
    %jit3A_2326 = arith.constant 0 : i32
    %jit3A_2327 = arith.constant 1038 : i32
    %max3A_2328 = vector.broadcast %jit3A_2326 : i32 to vector<16xi32>
    %max3A_2329 = arith.maxsi %max3A_2328, %select_n3A_2325 : vector<16xi32>
    %min3A_2330 = vector.broadcast %jit3A_2327 : i32 to vector<16xi32>
    %min3A_2331 = arith.minsi %min3A_2330, %max3A_2329 : vector<16xi32>
    tpu.wait_dma2 semaphore(%arg6 : memref<!tpu.dma_semaphore, #tpu.memory_space<semaphore_mem>>) src(%arg2 : memref<1039xf32, #tpu.memory_space<hbm>>) dst(%arg4 : memref<1039xf32, #tpu.memory_space<vmem>>)
    %gather3A = tpu.vector_load_idx %arg4[%min3A_86] : memref<1039xf32, #tpu.memory_space<vmem>>[vector<16xi32>], vector<16xf32>,
    %select_n3A_2332 = arith.select %and3A, %gather3A, %broadcast_in_dim3A_1 : vector<16xi1>, vector<16xf32>
    %swap3A = arith.constant 0 : i32
    %swap3A_2333 = arith.index_cast %swap3A : i32 to index
    %swap3A_2334 = arith.constant 0 : index
    %swap3A_2335 = tpu.vector_load %arg5[%swap3A_2333, %swap3A_2334] {strides = array<i32>} : memref<8x37xf32, #tpu.memory_space<vmem>>, vector<16xf32>,
    tpu.vector_store %arg5[%swap3A_2333, %swap3A_2334], %select_n3A_2332 {strides = array<i32>} : memref<8x37xf32, #tpu.memory_space<vmem>>, vector<16xf32>,
    %gather3A_2336 = tpu.vector_load_idx %arg4[%min3A_183] : memref<1039xf32, #tpu.memory_space<vmem>>[vector<16xi32>], vector<16xf32>,
    %select_n3A_2337 = arith.select %and3A_103, %gather3A_2336, %broadcast_in_dim3A_1 : vector<16xi1>, vector<16xf32>
    %swap3A_2338 = arith.constant 0 : i32
    %swap3A_2339 = arith.index_cast %swap3A_2338 : i32 to index
    %swap3A_2340 = arith.constant 16 : index
    %swap3A_2341 = tpu.vector_load %arg5[%swap3A_2339, %swap3A_2340] {strides = array<i32>} : memref<8x37xf32, #tpu.memory_space<vmem>>, vector<16xf32>,
    tpu.vector_store %arg5[%swap3A_2339, %swap3A_2340], %select_n3A_2337 {strides = array<i32>} : memref<8x37xf32, #tpu.memory_space<vmem>>, vector<16xf32>,
    %gather3A_2342 = tpu.vector_load_idx %arg4[%min3A_280] : memref<1039xf32, #tpu.memory_space<vmem>>[vector<16xi32>], vector<16xf32>,
    %select_n3A_2343 = arith.select %and3A_200, %gather3A_2342, %broadcast_in_dim3A_1 : vector<16xi1>, vector<16xf32>
    %swap3A_2344 = arith.constant 0 : i32
    %swap3A_2345 = arith.index_cast %swap3A_2344 : i32 to index
    %swap3A_2346 = arith.constant 21 : index
    %swap3A_2347 = tpu.vector_load %arg5[%swap3A_2345, %swap3A_2346] {strides = array<i32>} : memref<8x37xf32, #tpu.memory_space<vmem>>, vector<16xf32>,
    tpu.vector_store %arg5[%swap3A_2345, %swap3A_2346], %select_n3A_2343 {strides = array<i32>} : memref<8x37xf32, #tpu.memory_space<vmem>>, vector<16xf32>,
    %gather3A_2348 = tpu.vector_load_idx %arg4[%min3A_379] : memref<1039xf32, #tpu.memory_space<vmem>>[vector<16xi32>], vector<16xf32>,
    %select_n3A_2349 = arith.select %and3A_299, %gather3A_2348, %broadcast_in_dim3A_1 : vector<16xi1>, vector<16xf32>
    %swap3A_2350 = arith.constant 1 : i32
    %swap3A_2351 = arith.index_cast %swap3A_2350 : i32 to index
    %swap3A_2352 = arith.constant 0 : index
    %swap3A_2353 = tpu.vector_load %arg5[%swap3A_2351, %swap3A_2352] {strides = array<i32>} : memref<8x37xf32, #tpu.memory_space<vmem>>, vector<16xf32>,
    tpu.vector_store %arg5[%swap3A_2351, %swap3A_2352], %select_n3A_2349 {strides = array<i32>} : memref<8x37xf32, #tpu.memory_space<vmem>>, vector<16xf32>,
    %gather3A_2354 = tpu.vector_load_idx %arg4[%min3A_476] : memref<1039xf32, #tpu.memory_space<vmem>>[vector<16xi32>], vector<16xf32>,
    %select_n3A_2355 = arith.select %and3A_396, %gather3A_2354, %broadcast_in_dim3A_1 : vector<16xi1>, vector<16xf32>
    %swap3A_2356 = arith.constant 1 : i32
    %swap3A_2357 = arith.index_cast %swap3A_2356 : i32 to index
    %swap3A_2358 = arith.constant 16 : index
    %swap3A_2359 = tpu.vector_load %arg5[%swap3A_2357, %swap3A_2358] {strides = array<i32>} : memref<8x37xf32, #tpu.memory_space<vmem>>, vector<16xf32>,
    tpu.vector_store %arg5[%swap3A_2357, %swap3A_2358], %select_n3A_2355 {strides = array<i32>} : memref<8x37xf32, #tpu.memory_space<vmem>>, vector<16xf32>,
    %gather3A_2360 = tpu.vector_load_idx %arg4[%min3A_573] : memref<1039xf32, #tpu.memory_space<vmem>>[vector<16xi32>], vector<16xf32>,
    %select_n3A_2361 = arith.select %and3A_493, %gather3A_2360, %broadcast_in_dim3A_1 : vector<16xi1>, vector<16xf32>
    %swap3A_2362 = arith.constant 1 : i32
    %swap3A_2363 = arith.index_cast %swap3A_2362 : i32 to index
    %swap3A_2364 = arith.constant 21 : index
    %swap3A_2365 = tpu.vector_load %arg5[%swap3A_2363, %swap3A_2364] {strides = array<i32>} : memref<8x37xf32, #tpu.memory_space<vmem>>, vector<16xf32>,
    tpu.vector_store %arg5[%swap3A_2363, %swap3A_2364], %select_n3A_2361 {strides = array<i32>} : memref<8x37xf32, #tpu.memory_space<vmem>>, vector<16xf32>,
    %gather3A_2366 = tpu.vector_load_idx %arg4[%min3A_672] : memref<1039xf32, #tpu.memory_space<vmem>>[vector<16xi32>], vector<16xf32>,
    %select_n3A_2367 = arith.select %and3A_592, %gather3A_2366, %broadcast_in_dim3A_1 : vector<16xi1>, vector<16xf32>
    %swap3A_2368 = arith.constant 2 : i32
    %swap3A_2369 = arith.index_cast %swap3A_2368 : i32 to index
    %swap3A_2370 = arith.constant 0 : index
    %swap3A_2371 = tpu.vector_load %arg5[%swap3A_2369, %swap3A_2370] {strides = array<i32>} : memref<8x37xf32, #tpu.memory_space<vmem>>, vector<16xf32>,
    tpu.vector_store %arg5[%swap3A_2369, %swap3A_2370], %select_n3A_2367 {strides = array<i32>} : memref<8x37xf32, #tpu.memory_space<vmem>>, vector<16xf32>,
    %gather3A_2372 = tpu.vector_load_idx %arg4[%min3A_769] : memref<1039xf32, #tpu.memory_space<vmem>>[vector<16xi32>], vector<16xf32>,
    %select_n3A_2373 = arith.select %and3A_689, %gather3A_2372, %broadcast_in_dim3A_1 : vector<16xi1>, vector<16xf32>
    %swap3A_2374 = arith.constant 2 : i32
    %swap3A_2375 = arith.index_cast %swap3A_2374 : i32 to index
    %swap3A_2376 = arith.constant 16 : index
    %swap3A_2377 = tpu.vector_load %arg5[%swap3A_2375, %swap3A_2376] {strides = array<i32>} : memref<8x37xf32, #tpu.memory_space<vmem>>, vector<16xf32>,
    tpu.vector_store %arg5[%swap3A_2375, %swap3A_2376], %select_n3A_2373 {strides = array<i32>} : memref<8x37xf32, #tpu.memory_space<vmem>>, vector<16xf32>,
    %gather3A_2378 = tpu.vector_load_idx %arg4[%min3A_866] : memref<1039xf32, #tpu.memory_space<vmem>>[vector<16xi32>], vector<16xf32>,
    %select_n3A_2379 = arith.select %and3A_786, %gather3A_2378, %broadcast_in_dim3A_1 : vector<16xi1>, vector<16xf32>
    %swap3A_2380 = arith.constant 2 : i32
    %swap3A_2381 = arith.index_cast %swap3A_2380 : i32 to index
    %swap3A_2382 = arith.constant 21 : index
    %swap3A_2383 = tpu.vector_load %arg5[%swap3A_2381, %swap3A_2382] {strides = array<i32>} : memref<8x37xf32, #tpu.memory_space<vmem>>, vector<16xf32>,
    tpu.vector_store %arg5[%swap3A_2381, %swap3A_2382], %select_n3A_2379 {strides = array<i32>} : memref<8x37xf32, #tpu.memory_space<vmem>>, vector<16xf32>,
    %gather3A_2384 = tpu.vector_load_idx %arg4[%min3A_965] : memref<1039xf32, #tpu.memory_space<vmem>>[vector<16xi32>], vector<16xf32>,
    %select_n3A_2385 = arith.select %and3A_885, %gather3A_2384, %broadcast_in_dim3A_1 : vector<16xi1>, vector<16xf32>
    %swap3A_2386 = arith.constant 3 : i32
    %swap3A_2387 = arith.index_cast %swap3A_2386 : i32 to index
    %swap3A_2388 = arith.constant 0 : index
    %swap3A_2389 = tpu.vector_load %arg5[%swap3A_2387, %swap3A_2388] {strides = array<i32>} : memref<8x37xf32, #tpu.memory_space<vmem>>, vector<16xf32>,
    tpu.vector_store %arg5[%swap3A_2387, %swap3A_2388], %select_n3A_2385 {strides = array<i32>} : memref<8x37xf32, #tpu.memory_space<vmem>>, vector<16xf32>,
    %gather3A_2390 = tpu.vector_load_idx %arg4[%min3A_1062] : memref<1039xf32, #tpu.memory_space<vmem>>[vector<16xi32>], vector<16xf32>,
    %select_n3A_2391 = arith.select %and3A_982, %gather3A_2390, %broadcast_in_dim3A_1 : vector<16xi1>, vector<16xf32>
    %swap3A_2392 = arith.constant 3 : i32
    %swap3A_2393 = arith.index_cast %swap3A_2392 : i32 to index
    %swap3A_2394 = arith.constant 16 : index
    %swap3A_2395 = tpu.vector_load %arg5[%swap3A_2393, %swap3A_2394] {strides = array<i32>} : memref<8x37xf32, #tpu.memory_space<vmem>>, vector<16xf32>,
    tpu.vector_store %arg5[%swap3A_2393, %swap3A_2394], %select_n3A_2391 {strides = array<i32>} : memref<8x37xf32, #tpu.memory_space<vmem>>, vector<16xf32>,
    %gather3A_2396 = tpu.vector_load_idx %arg4[%min3A_1159] : memref<1039xf32, #tpu.memory_space<vmem>>[vector<16xi32>], vector<16xf32>,
    %select_n3A_2397 = arith.select %and3A_1079, %gather3A_2396, %broadcast_in_dim3A_1 : vector<16xi1>, vector<16xf32>
    %swap3A_2398 = arith.constant 3 : i32
    %swap3A_2399 = arith.index_cast %swap3A_2398 : i32 to index
    %swap3A_2400 = arith.constant 21 : index
    %swap3A_2401 = tpu.vector_load %arg5[%swap3A_2399, %swap3A_2400] {strides = array<i32>} : memref<8x37xf32, #tpu.memory_space<vmem>>, vector<16xf32>,
    tpu.vector_store %arg5[%swap3A_2399, %swap3A_2400], %select_n3A_2397 {strides = array<i32>} : memref<8x37xf32, #tpu.memory_space<vmem>>, vector<16xf32>,
    %gather3A_2402 = tpu.vector_load_idx %arg4[%min3A_1258] : memref<1039xf32, #tpu.memory_space<vmem>>[vector<16xi32>], vector<16xf32>,
    %select_n3A_2403 = arith.select %and3A_1178, %gather3A_2402, %broadcast_in_dim3A_1 : vector<16xi1>, vector<16xf32>
    %swap3A_2404 = arith.constant 4 : i32
    %swap3A_2405 = arith.index_cast %swap3A_2404 : i32 to index
    %swap3A_2406 = arith.constant 0 : index
    %swap3A_2407 = tpu.vector_load %arg5[%swap3A_2405, %swap3A_2406] {strides = array<i32>} : memref<8x37xf32, #tpu.memory_space<vmem>>, vector<16xf32>,
    tpu.vector_store %arg5[%swap3A_2405, %swap3A_2406], %select_n3A_2403 {strides = array<i32>} : memref<8x37xf32, #tpu.memory_space<vmem>>, vector<16xf32>,
    %gather3A_2408 = tpu.vector_load_idx %arg4[%min3A_1355] : memref<1039xf32, #tpu.memory_space<vmem>>[vector<16xi32>], vector<16xf32>,
    %select_n3A_2409 = arith.select %and3A_1275, %gather3A_2408, %broadcast_in_dim3A_1 : vector<16xi1>, vector<16xf32>
    %swap3A_2410 = arith.constant 4 : i32
    %swap3A_2411 = arith.index_cast %swap3A_2410 : i32 to index
    %swap3A_2412 = arith.constant 16 : index
    %swap3A_2413 = tpu.vector_load %arg5[%swap3A_2411, %swap3A_2412] {strides = array<i32>} : memref<8x37xf32, #tpu.memory_space<vmem>>, vector<16xf32>,
    tpu.vector_store %arg5[%swap3A_2411, %swap3A_2412], %select_n3A_2409 {strides = array<i32>} : memref<8x37xf32, #tpu.memory_space<vmem>>, vector<16xf32>,
    %gather3A_2414 = tpu.vector_load_idx %arg4[%min3A_1452] : memref<1039xf32, #tpu.memory_space<vmem>>[vector<16xi32>], vector<16xf32>,
    %select_n3A_2415 = arith.select %and3A_1372, %gather3A_2414, %broadcast_in_dim3A_1 : vector<16xi1>, vector<16xf32>
    %swap3A_2416 = arith.constant 4 : i32
    %swap3A_2417 = arith.index_cast %swap3A_2416 : i32 to index
    %swap3A_2418 = arith.constant 21 : index
    %swap3A_2419 = tpu.vector_load %arg5[%swap3A_2417, %swap3A_2418] {strides = array<i32>} : memref<8x37xf32, #tpu.memory_space<vmem>>, vector<16xf32>,
    tpu.vector_store %arg5[%swap3A_2417, %swap3A_2418], %select_n3A_2415 {strides = array<i32>} : memref<8x37xf32, #tpu.memory_space<vmem>>, vector<16xf32>,
    %gather3A_2420 = tpu.vector_load_idx %arg4[%min3A_1551] : memref<1039xf32, #tpu.memory_space<vmem>>[vector<16xi32>], vector<16xf32>,
    %select_n3A_2421 = arith.select %and3A_1471, %gather3A_2420, %broadcast_in_dim3A_1 : vector<16xi1>, vector<16xf32>
    %swap3A_2422 = arith.constant 5 : i32
    %swap3A_2423 = arith.index_cast %swap3A_2422 : i32 to index
    %swap3A_2424 = arith.constant 0 : index
    %swap3A_2425 = tpu.vector_load %arg5[%swap3A_2423, %swap3A_2424] {strides = array<i32>} : memref<8x37xf32, #tpu.memory_space<vmem>>, vector<16xf32>,
    tpu.vector_store %arg5[%swap3A_2423, %swap3A_2424], %select_n3A_2421 {strides = array<i32>} : memref<8x37xf32, #tpu.memory_space<vmem>>, vector<16xf32>,
    %gather3A_2426 = tpu.vector_load_idx %arg4[%min3A_1648] : memref<1039xf32, #tpu.memory_space<vmem>>[vector<16xi32>], vector<16xf32>,
    %select_n3A_2427 = arith.select %and3A_1568, %gather3A_2426, %broadcast_in_dim3A_1 : vector<16xi1>, vector<16xf32>
    %swap3A_2428 = arith.constant 5 : i32
    %swap3A_2429 = arith.index_cast %swap3A_2428 : i32 to index
    %swap3A_2430 = arith.constant 16 : index
    %swap3A_2431 = tpu.vector_load %arg5[%swap3A_2429, %swap3A_2430] {strides = array<i32>} : memref<8x37xf32, #tpu.memory_space<vmem>>, vector<16xf32>,
    tpu.vector_store %arg5[%swap3A_2429, %swap3A_2430], %select_n3A_2427 {strides = array<i32>} : memref<8x37xf32, #tpu.memory_space<vmem>>, vector<16xf32>,
    %gather3A_2432 = tpu.vector_load_idx %arg4[%min3A_1745] : memref<1039xf32, #tpu.memory_space<vmem>>[vector<16xi32>], vector<16xf32>,
    %select_n3A_2433 = arith.select %and3A_1665, %gather3A_2432, %broadcast_in_dim3A_1 : vector<16xi1>, vector<16xf32>
    %swap3A_2434 = arith.constant 5 : i32
    %swap3A_2435 = arith.index_cast %swap3A_2434 : i32 to index
    %swap3A_2436 = arith.constant 21 : index
    %swap3A_2437 = tpu.vector_load %arg5[%swap3A_2435, %swap3A_2436] {strides = array<i32>} : memref<8x37xf32, #tpu.memory_space<vmem>>, vector<16xf32>,
    tpu.vector_store %arg5[%swap3A_2435, %swap3A_2436], %select_n3A_2433 {strides = array<i32>} : memref<8x37xf32, #tpu.memory_space<vmem>>, vector<16xf32>,
    %gather3A_2438 = tpu.vector_load_idx %arg4[%min3A_1844] : memref<1039xf32, #tpu.memory_space<vmem>>[vector<16xi32>], vector<16xf32>,
    %select_n3A_2439 = arith.select %and3A_1764, %gather3A_2438, %broadcast_in_dim3A_1 : vector<16xi1>, vector<16xf32>
    %swap3A_2440 = arith.constant 6 : i32
    %swap3A_2441 = arith.index_cast %swap3A_2440 : i32 to index
    %swap3A_2442 = arith.constant 0 : index
    %swap3A_2443 = tpu.vector_load %arg5[%swap3A_2441, %swap3A_2442] {strides = array<i32>} : memref<8x37xf32, #tpu.memory_space<vmem>>, vector<16xf32>,
    tpu.vector_store %arg5[%swap3A_2441, %swap3A_2442], %select_n3A_2439 {strides = array<i32>} : memref<8x37xf32, #tpu.memory_space<vmem>>, vector<16xf32>,
    %gather3A_2444 = tpu.vector_load_idx %arg4[%min3A_1941] : memref<1039xf32, #tpu.memory_space<vmem>>[vector<16xi32>], vector<16xf32>,
    %select_n3A_2445 = arith.select %and3A_1861, %gather3A_2444, %broadcast_in_dim3A_1 : vector<16xi1>, vector<16xf32>
    %swap3A_2446 = arith.constant 6 : i32
    %swap3A_2447 = arith.index_cast %swap3A_2446 : i32 to index
    %swap3A_2448 = arith.constant 16 : index
    %swap3A_2449 = tpu.vector_load %arg5[%swap3A_2447, %swap3A_2448] {strides = array<i32>} : memref<8x37xf32, #tpu.memory_space<vmem>>, vector<16xf32>,
    tpu.vector_store %arg5[%swap3A_2447, %swap3A_2448], %select_n3A_2445 {strides = array<i32>} : memref<8x37xf32, #tpu.memory_space<vmem>>, vector<16xf32>,
    %gather3A_2450 = tpu.vector_load_idx %arg4[%min3A_2038] : memref<1039xf32, #tpu.memory_space<vmem>>[vector<16xi32>], vector<16xf32>,
    %select_n3A_2451 = arith.select %and3A_1958, %gather3A_2450, %broadcast_in_dim3A_1 : vector<16xi1>, vector<16xf32>
    %swap3A_2452 = arith.constant 6 : i32
    %swap3A_2453 = arith.index_cast %swap3A_2452 : i32 to index
    %swap3A_2454 = arith.constant 21 : index
    %swap3A_2455 = tpu.vector_load %arg5[%swap3A_2453, %swap3A_2454] {strides = array<i32>} : memref<8x37xf32, #tpu.memory_space<vmem>>, vector<16xf32>,
    tpu.vector_store %arg5[%swap3A_2453, %swap3A_2454], %select_n3A_2451 {strides = array<i32>} : memref<8x37xf32, #tpu.memory_space<vmem>>, vector<16xf32>,
    %gather3A_2456 = tpu.vector_load_idx %arg4[%min3A_2137] : memref<1039xf32, #tpu.memory_space<vmem>>[vector<16xi32>], vector<16xf32>,
    %select_n3A_2457 = arith.select %and3A_2057, %gather3A_2456, %broadcast_in_dim3A_1 : vector<16xi1>, vector<16xf32>
    %swap3A_2458 = arith.constant 7 : i32
    %swap3A_2459 = arith.index_cast %swap3A_2458 : i32 to index
    %swap3A_2460 = arith.constant 0 : index
    %swap3A_2461 = tpu.vector_load %arg5[%swap3A_2459, %swap3A_2460] {strides = array<i32>} : memref<8x37xf32, #tpu.memory_space<vmem>>, vector<16xf32>,
    tpu.vector_store %arg5[%swap3A_2459, %swap3A_2460], %select_n3A_2457 {strides = array<i32>} : memref<8x37xf32, #tpu.memory_space<vmem>>, vector<16xf32>,
    %gather3A_2462 = tpu.vector_load_idx %arg4[%min3A_2234] : memref<1039xf32, #tpu.memory_space<vmem>>[vector<16xi32>], vector<16xf32>,
    %select_n3A_2463 = arith.select %and3A_2154, %gather3A_2462, %broadcast_in_dim3A_1 : vector<16xi1>, vector<16xf32>
    %swap3A_2464 = arith.constant 7 : i32
    %swap3A_2465 = arith.index_cast %swap3A_2464 : i32 to index
    %swap3A_2466 = arith.constant 16 : index
    %swap3A_2467 = tpu.vector_load %arg5[%swap3A_2465, %swap3A_2466] {strides = array<i32>} : memref<8x37xf32, #tpu.memory_space<vmem>>, vector<16xf32>,
    tpu.vector_store %arg5[%swap3A_2465, %swap3A_2466], %select_n3A_2463 {strides = array<i32>} : memref<8x37xf32, #tpu.memory_space<vmem>>, vector<16xf32>,
    %gather3A_2468 = tpu.vector_load_idx %arg4[%min3A_2331] : memref<1039xf32, #tpu.memory_space<vmem>>[vector<16xi32>], vector<16xf32>,
    %select_n3A_2469 = arith.select %and3A_2251, %gather3A_2468, %broadcast_in_dim3A_1 : vector<16xi1>, vector<16xf32>
    %swap3A_2470 = arith.constant 7 : i32
    %swap3A_2471 = arith.index_cast %swap3A_2470 : i32 to index
    %swap3A_2472 = arith.constant 21 : index
    %swap3A_2473 = tpu.vector_load %arg5[%swap3A_2471, %swap3A_2472] {strides = array<i32>} : memref<8x37xf32, #tpu.memory_space<vmem>>, vector<16xf32>,
    tpu.vector_store %arg5[%swap3A_2471, %swap3A_2472], %select_n3A_2469 {strides = array<i32>} : memref<8x37xf32, #tpu.memory_space<vmem>>, vector<16xf32>,
    "tpu.region"() ({
      %run_scoped3A = tpu.sem_alloc : memref<!tpu.dma_semaphore, #tpu.memory_space<semaphore_mem>>
      %dma_start3A = arith.constant 0 : i32
      %dma_start3A_2474 = tpu.memref_slice %arg3[%mul3A_0, %dma_start3A] : memref<37x37xf32, #tpu.memory_space<hbm>> -> memref<8x37xf32, #tpu.memory_space<hbm>>
      %dma_start3A_2475 = arith.constant 0 : i32
      %dma_start3A_2476 = tpu.memref_slice %arg3[%mul3A_0, %dma_start3A_2475] : memref<37x37xf32, #tpu.memory_space<hbm>> -> memref<8x37xf32, #tpu.memory_space<hbm>>
      tpu.enqueue_dma source(%arg5 : memref<8x37xf32, #tpu.memory_space<vmem>>) target(%dma_start3A_2476 : memref<8x37xf32, #tpu.memory_space<hbm>>) target_semaphore(%run_scoped3A : memref<!tpu.dma_semaphore, #tpu.memory_space<semaphore_mem>>)
      %dma_wait3A = arith.constant 0 : i32
      %dma_wait3A_2477 = tpu.memref_slice %arg3[%mul3A_0, %dma_wait3A] : memref<37x37xf32, #tpu.memory_space<hbm>> -> memref<8x37xf32, #tpu.memory_space<hbm>>
      %dma_wait3A_2478 = arith.constant 0 : i32
      %dma_wait3A_2479 = tpu.memref_slice %arg3[%mul3A_0, %dma_wait3A_2478] : memref<37x37xf32, #tpu.memory_space<hbm>> -> memref<8x37xf32, #tpu.memory_space<hbm>>
      tpu.wait_dma2 semaphore(%run_scoped3A : memref<!tpu.dma_semaphore, #tpu.memory_space<semaphore_mem>>) src(%arg5 : memref<8x37xf32, #tpu.memory_space<vmem>>) dst(%dma_wait3A_2479 : memref<8x37xf32, #tpu.memory_space<hbm>>)
      tpu.yield
    }) : () -> ()
    return
  }
}

</mosaic_0001>

<sc_bundles>
// kernel: kernel.3.cloned.1.call-start
scs
__scs_entry_jumppad:
0x0: {  	(pc) =	sbr.rel $0x88, $3  }
0x1: {  	(tag) =	ssettag $0x0;
	lr =	simm.s32 $0x1  }
0x2: {  	[smem:$0x3FA0] =	sst lr;
	_ =	strace $0xD0000000  }
0x3: {  	_ = 	snop  }
0x4: {  	_ = 	snop  }
0x5: {  	_ = 	snop  }
0x6: {  	_ = 	snop  }
0x7: {  	_ = 	snop  }
__scs_overlays_trampoline_lowered:
0x8: {  	[smem:$0x3FAF] =	sst s0  }
0x9: {  	[smem:$0x3FB0] =	sst s1  }
0xa: {  	[smem:$0x3FB1] =	sst s2  }
0xb: {  	[smem:$0x3FB2] =	sst s3  }
0xc: {  	[smem:$0x3FB3] =	sst s4  }
0xd: {  	[smem:$0x3FB4] =	sst s5  }
0xe: {  	[smem:$0x3FB5] =	sst s6  }
0xf: {  	[smem:$0x3FB6] =	sst s7  }
0x10: {  	[smem:$0x3FB7] =	sst s8  }
0x11: {  	[smem:$0x3FB8] =	sst s9;
	s0 =	simm.s32 @!p0 $0x0  }
0x12: {  	s1 =	sld [smem:$0x3F9E];
	s0 =	simm.s32 @p0 $0x1  }
0x13: {  	[smem:$0x3FB9] =	sst s0;
	s0 =	simm.s32 @!p1 $0x0  }
0x14: {  	s2 =	sld [smem:$0x3F9D];
	s0 =	simm.s32 @p1 $0x1  }
0x15: {  	[smem:$0x3FBA] =	sst s0;
	s0 =	simm.s32 @!p2 $0x0  }
0x16: {  	s3 =	sld [smem:$0x3FDB];
	s0 =	simm.s32 @p2 $0x1  }
0x17: {  	s4 =	simm.s32 $0x1BF5;
	[smem:$0x3FBC] =	sst s0  }
0x18: {  	s0 =	sld [smem:$0x3F9F];
	_ =	swait.ge [sflag:s4], $0x0  }
0x19: {  	s7 =	sld [smem:$0x3FA0]  }
0x1a: {  	s8 =	sadd.s32 $0xFFFFE003, lr  }
0x1b: {  	s9 =	sadd.s32 $0xFFFFFEF7, lr;
	s5 =	simm.s32 $0xFFFFFFFF;
	p2 =	slt.u32 s8, $0xFFFFF086  }
0x1c: {  	p1 =	slt.u32 s9, $0xF7A;
	s5 =	simm.s32 @!p2 $0x0  }
0x1d: {  	s5 =	simm.s32 @p1 $0x1;
	p0 =	seq.s32 s7, s2  }
0x1e: {  	s7 =	smul.u32 @!p0 $0xF7A, s2;
	p2 =	seq.s32 @!p0 s5, $0x0  }
0x1f: {  	s9 =	smul.u32 $0xF7A, s1;
	s8 =	simm.s32 @!p0 $0x1BF5;
	p2 =	por !p2, p0  }
0x20: {  	[sflag:s8] =	ssyncset.s32 @!p0 $0xFFFFF086;
	s6 =	sadd.s32 @!p0 s3, s7;
	s7 =	simm.s32 @!p0 $0x108  }
0x21: {  	s3 =	sadd.s32 s3, s9;
	s6 =	sadd.s32 @!p0 $0x88, s6;
	s7 =	simm.s32 @p2 $0x1082  }
0x22: {  	[simem:s7], [sflag:s8] =	dma.local @!p0 [hbm:s6], $0xF7A  }
0x23: {  	s9 =	sor.u32 $0xD0000000, s2;
	s6 =	simm.s32 $0x108;
	_ =	swait.ge @!p0 [sflag:s8], $0x0  }
0x24: {  	s3 =	sadd.s32 $0x88, s3;
	s6 =	simm.s32 @!p1 $0x1082;
	[sflag:s4] =	ssyncset.s32 $0xFFFFF086  }
0x25: {  	[simem:s6], [sflag:s4] =	dma.local [hbm:s3], $0xF7A  }
0x26: {  	[smem:$0x3FA0] =	sst s1;
	(tag) =	ssettag s2;
	_ =	strace s9  }
0x27: {  	s1 =	sld [smem:$0x3FB0]  }
0x28: {  	s2 =	sld [smem:$0x3FB1]  }
0x29: {  	s4 =	sld [smem:$0x3FB3]  }
0x2a: {  	p0 =	seq.s32 s5, $0x0;
	s5 =	sld [smem:$0x3FB4]  }
0x2b: {  	s6 =	sld [smem:$0x3FB5]  }
0x2c: {  	s7 =	sld [smem:$0x3FB6]  }
0x2d: {  	s3 =	simm.s32 $0x108;
	s8 =	sld [smem:$0x3FB7]  }
0x2e: {  	s3 =	simm.s32 @!p0 $0x1082;
	s9 =	sld [smem:$0x3FB8]  }
0x2f: {  	lr =	sadd.s32 s0, s3;
	s0 =	sld [smem:$0x3FAF]  }
0x30: {  	s3 =	sld [smem:$0x3FB2]  }
0x31: {  	[smem:$0x3FBB] =	sst s10  }
0x32: {  	s10 =	sld [smem:$0x3FB9];
	_ =	sdelay $0x3  }
0x33: {  	p0 =	seq.s32 s10, $0x1;
	s10 =	sld [smem:$0x3FBB];
	_ =	sdelay $0x3  }
0x34: {  	[smem:$0x3FBB] =	sst s10  }
0x35: {  	s10 =	sld [smem:$0x3FBA];
	_ =	sdelay $0x3  }
0x36: {  	p1 =	seq.s32 s10, $0x1;
	s10 =	sld [smem:$0x3FBB];
	_ =	sdelay $0x3  }
0x37: {  	[smem:$0x3FBB] =	sst s10  }
0x38: {  	s10 =	sld [smem:$0x3FBC]  }
0x39: {  	_ = 	snop;
	(pc) =	sbr.ind lr, $3  }
0x3a: {  	_ = 	snop  }
0x3b: {  	_ = 	snop  }
0x3c: {  	p2 =	seq.s32 s10, $0x1;
	s10 =	sld [smem:$0x3FBB]  }
0x3d: {  	_ =	shalt  }
0x3e: {  	_ =	shalt  }
0x3f: {  	_ =	shalt  }
0x40: {  	_ =	shalt  }
0x41: {  	_ =	shalt  }
0x42: {  	_ =	shalt  }
0x43: {  	_ =	shalt  }
0x44: {  	_ =	shalt  }
0x45: {  	_ =	shalt  }
0x46: {  	_ =	shalt  }
0x47: {  	_ =	shalt  }
0x48: {  	_ =	shalt  }
0x49: {  	_ =	shalt  }
0x4a: {  	_ =	shalt  }
0x4b: {  	_ =	shalt  }
0x4c: {  	_ =	shalt  }
0x4d: {  	_ =	shalt  }
0x4e: {  	_ =	shalt  }
0x4f: {  	_ =	shalt  }
0x50: {  	_ =	shalt  }
0x51: {  	_ =	shalt  }
0x52: {  	_ =	shalt  }
0x53: {  	_ =	shalt  }
0x54: {  	_ =	shalt  }
0x55: {  	_ =	shalt  }
0x56: {  	_ =	shalt  }
0x57: {  	_ =	shalt  }
0x58: {  	_ =	shalt  }
0x59: {  	_ =	shalt  }
0x5a: {  	_ =	shalt  }
0x5b: {  	_ =	shalt  }
0x5c: {  	_ =	shalt  }
0x5d: {  	_ =	shalt  }
0x5e: {  	_ =	shalt  }
0x5f: {  	_ =	shalt  }
0x60: {  	_ =	shalt  }
0x61: {  	_ =	shalt  }
0x62: {  	_ =	shalt  }
0x63: {  	_ =	shalt  }
0x64: {  	_ =	shalt  }
0x65: {  	_ =	shalt  }
0x66: {  	_ =	shalt  }
0x67: {  	_ =	shalt  }
0x68: {  	_ =	shalt  }
0x69: {  	_ =	shalt  }
0x6a: {  	_ =	shalt  }
0x6b: {  	_ =	shalt  }
0x6c: {  	_ =	shalt  }
0x6d: {  	_ =	shalt  }
0x6e: {  	_ =	shalt  }
0x6f: {  	_ =	shalt  }
0x70: {  	_ =	shalt  }
0x71: {  	_ =	shalt  }
0x72: {  	_ =	shalt  }
0x73: {  	_ =	shalt  }
0x74: {  	_ =	shalt  }
0x75: {  	_ =	shalt  }
0x76: {  	_ =	shalt  }
0x77: {  	_ =	shalt  }
0x78: {  	_ =	shalt  }
0x79: {  	_ =	shalt  }
0x7a: {  	_ =	shalt  }
0x7b: {  	_ =	shalt  }
0x7c: {  	_ =	shalt  }
0x7d: {  	_ =	shalt  }
0x7e: {  	_ =	shalt  }
0x7f: {  	_ =	shalt  }
0x80: {  	_ =	shalt  }
0x81: {  	_ =	shalt  }
0x82: {  	_ =	shalt  }
0x83: {  	_ =	shalt  }
0x84: {  	_ =	shalt  }
0x85: {  	_ =	shalt  }
0x86: {  	_ =	shalt  }
0x87: {  	_ =	shalt  }
.Lfunc_end0:
.L_simem_size_0:
called_computation_lowered:
.L_overlay_start_0:
0x88: {  	s0 =	sld [smem:$0x3FD9]  }
0x89: {  	s1 =	sld [smem:$0x3FFE];
	_ =	sdelay $0x3  }
0x8a: {  	s0 =	sadd.s32 s1, s0  }
0x8b: {  	[smem:$0x3FC7] =	sst s0  }
0x8c: {  	_ = 	snop  }
0x8d: {  	s0 =	sld [smem:$0x3FC9]  }
0x8e: {  	s17 =	sld [smem:$0x3FD0];
	(tm) =	ssettm $0x1  }
0x8f: {  	s2 =	sld [smem:$0x3FFB];
	_ =	sdelay $0x3  }
0x90: {  	_ =	strace s2  }
0x91: {  	s2 =	sld [smem:$0x3FFC];
	_ =	sdelay $0x3  }
0x92: {  	_ =	strace s2  }
0x93: {  	s2 =	sld [smem:$0x3FFD];
	_ =	sdelay $0x3  }
0x94: {  	_ =	strace s2  }
0x95: {  	_ =	strace $0x8FFFFFFF  }
0x96: {  	s18 =	sld [smem:$0x3FDB];
	_ =	sdelay $0x1  }
0x97: {  	s3 =	simm.s32 $_scs_section_size  }
0x98: {  	s4 =	simm.s32 $_size__tile_overlayer_lowered;
	s5 =	simm.s32 $_tile_overlayer_lowered  }
0x99: {  	s21 =	simm.s32 $0x1BFF;
	s20 =	sshll.u32 s5, $0x1;
	s2 =	sadd.s32 s3, s18  }
0x9a: {  	s6 =	simm.s32 $0x0;
	s19 =	sshll.u32 s4, $0x1;
	s4 =	sadd.s32 s20, s2  }
0x9b: {  	[timem:s6], [sflag:s21] =	dma.local [hbm:s4], s19  }
0x9c: {  	_ =	swait.ge [sflag:s21], s19  }
0x9d: {  	s3 =	ssub.s32 $0x0, s19;
	[sflag:s21] =	ssyncset.done $0x0  }
0x9e: {  	[sflag:s21] =	ssyncadd.s32 s3;
	_ =	sdelay $0x1  }
0x9f: {  	s22 =	simm.s32 $0x1B8B  }
0xa0: {  	_ =	swait.ge [sflag:s22], $0x1  }
0xa1: {  	[sflag:s22] =	ssyncset.done $0x0  }
0xa2: {  	s23 =	simm.s32 $0x1B8E;
	[sflag:s22] =	ssyncadd.s32 $0xFFFFFFFF  }
0xa3: {  	s24 =	simm.s32 $execute0_lowered;
	[smem:$0x3FD2] =	sst s23  }
0xa4: {  	s3 =	sshll.u32 s24, $0x1;
	_ =	strace $0x80000046;
	[dreg:$0x1] =	wrdreg $0xFFFFFFFF  }
0xa5: {  	s25 =	simm.s32 $_size_execute0_lowered;
	s2 =	sadd.s32 s2, s3;
	[dreg:$0x0] =	wrdreg $0x0  }
0xa6: {  	s3 =	sshll.u32 s25, $0x1;
	[dreg:$0x2] =	wrdreg s2  }
0xa7: {  	[dreg:$0x3] =	wrdreg s3  }
0xa8: {  	[dreg:$0x4] =	wrdreg $0xC0  }
0xa9: {  	_ =	task [dreg:s6], $0x5FFFF  }
0xaa: {  	[dreg:$0x1] =	wrdreg $0xFFFFFFFF  }
0xab: {  	[dreg:$0x0] =	wrdreg $0x60  }
0xac: {  	[dreg:$0x2] =	wrdreg s0  }
0xad: {  	[dreg:$0x3] =	wrdreg s17  }
0xae: {  	[dreg:$0x4] =	wrdreg $0x9  }
0xaf: {  	_ =	task.clear_ibuf [dreg:s6], $0x5FFFF;
	_ =	strace $0x90000046  }
0xb0: {  	s26 =	simm.s32 $0x9;
	_ =	strace $0x80000048  }
0xb1: {  	_ =	swait.ge [sflag:s26], $0x1  }
0xb2: {  	[sflag:s26] =	ssyncadd.s32 $0xFFFFFFFF  }
0xb3: {  	_ =	strace $0x90000048  }
0xb4: {  	_ =	sfence  }
0xb5: {  	s28 =	sld [smem:$0x0];
	_ =	sdelay $0x1  }
0xb6: {  	s29 =	srdreg.scid  }
0xb7: {  	s30 =	sshll.u32 s29, $0xD;
	s31 =	sshrl.u32 s29, $0x2  }
0xb8: {  	s1 =	sand.u32 $0x1, s29;
	s2 =	sand.u32 $0x4000, s30;
	s0 =	sadd.s32 s31, s28  }
0xb9: {  	s1 =	sor.u32 s2, s1;
	s0 =	sshll.u32 s0, $0x11  }
0xba: {  	s0 =	sor.u32 s0, s1  }
0xbb: {  	s0 =	sadd.s32 $0x8F2B, s0  }
0xbc: {  	[sflag:s0] =	ssyncadd.remote.s32 $0x1  }
0xbd: {  	_ =	sfence.sel $0xFFFF  }
0xbe: {  	[dreg:$0x0] =	wrdreg $0xFFFFFFFF;
	(pc) =	sbr.abs _section_cstart, $3  }
0xbf: {  	[dreg:$0x1] =	wrdreg $0xFFFFFFFF  }
0xc0: {  	_ =	task.clear_ibuf [dreg:s6], $0x2FFFF;
	_ =	strace $0x9FFFFFFF  }
0xc1: {  	(tm) =	ssettm $0x7FFFFFFF  }
tec
execute0_lowered:
.L_overlay_start_1:
0x0: {  	(tag) =	ssettag $0x1  }
0x1: {  	s1 =	stileid.u32  }
0x2: {  	p0 =	sgt.u32 s1, $0x4  }
.Ltmp0:
0x3: {  	_ = 	snop;
	(pc) =	sbr.rel @p0 .LBB2_2-.Ltmp0, $4  }
0x4: {  	s6 =	rddreg [dreg:$0x0]  }
0x5: {  	s3 =	rddreg [dreg:$0x1];
	s2 =	simm.s32 $0x0  }
0x6: {  	[smem:$0x7FF] =	sst s2  }
0x7: {  	s0 =	rddreg [dreg:$0x2];
	_ =	strace $0x80000047  }
0x8: {  	s4 =	sshll.u32 s1, $0x3  }
0x9: {  	s5 =	smul.u32 $0x128, s1;
	s7 =	sadd.s32 $0xFFFFFFEE, s4;
	s8 =	sadd.s32 $0xFFFFFFED, s4  }
0xa: {  	s9 =	sadd.s32 $0xFFFFFFFF, s4;
	s8 =	smul.u32 s8, s7  }
0xb: {  	s9 =	smul.u32 s4, s9  }
0xc: {  	s11 =	smul.u32 $0x98, s1;
	p1 =	slt.u32 s1, $0x3;
	s8 =	sshra.s32 s8, $0x1  }
0xd: {  	s10 =	ssub.s32 $0x12, s4;
	s9 =	sshra.s32 s9, $0x1;
	s8 =	ssub.s32 s5, s8  }
0xe: {  	p0 =	sgt.s32 s10, $0x0;
	s9 =	sadd.s32 s11, s9;
	s8 =	sadd.s32 $0xFFFFFF55, s8  }
0xf: {  	s10 =	simm.s32 @!p0 $0x0;
	s8 =	smov.u32 @p1 s9  }
0x10: {  	v2 =	vlaneseq.u32;
	s31 =	ssub.s32 $0x36, s4;
	s8 =	ssub.s32 s8, s10  }
0x11: {  	v1 =	vadd.s32 $0x1, v2;
	v0 =	vadd.s32 $0xFFFFFFFF, v2;
	s9 =	smin.u32 s31, $0x24;
	v3 =	vadd.s32 s8, v2  }
0x12: {  	v9 =	vmov s10;
	v10 =	vmov s9;
	vm0 =	vgt.s32 v3, $0x0  }
0x13: {  	vm1 =	vlt.u32 v9, v1;
	vm2 =	vgt.s32 v10, v0;
	v3 =	vnsel vm0, $0x0, v3  }
0x14: {  	vm1 =	vmand vm1, vm2;
	v3 =	vmin.u32 v3, $0x40E  }
0x15: {  	[tilespmem:s2], [sflag:$0x1] =	stream.linear.gather [hbm4b:s6+s2], $0x480, $0x38;
	v6 =	vnsel vm1, $0x0, v3;
	[tilespmem:$0x880] =	vst v63  }
0x16: {  	s11 =	simm.s32 $0x1  }
0x17: {  	v5 =	vor.u32 $0x10, v2;
	_ =	swait.ge [sflag:s11], $0x480  }
0x18: {  	[sflag:s11] =	ssyncset.done $0x0;
	v7 =	vadd.s32 s8, v5  }
0x19: {  	v4 =	vadd.s32 $0x11, v2;
	[sflag:s11] =	ssyncadd.s32 $0xFFFFFB80;
	vm7 =	vgt.s32 v7, $0x0;
	v3 =	vadd.s32 $0xF, v2  }
0x1a: {  	vm8 =	vlt.u32 v9, v4;
	v7 =	vnsel vm7, $0x0, v7;
	vm9 =	vgt.u32 v10, v3;
	v8 =	vld.idx.msk [tilespmem:v6+s2+$0x0], $0xffff  }
0x1b: {  	v55 =	vmin.u32 v7, $0x40E;
	vm0 =	vmand vm8, vm9  }
0x1c: {  	v11 =	vnsel vm0, $0x0, v55  }
0x1d: {  	s12 =	sadd.s32 $0xFFFFFFEF, s4  }
0x1e: {  	s7 =	smul.u32 s7, s12;
	v6 =	vadd.s32 $0x15, v2  }
0x1f: {  	s13 =	sor.u32 $0x1, s4;
	v12 =	vadd.s32 s8, v6;
	v13 =	vnsel vm1, $0x0, v8  }
0x20: {  	s14 =	smul.u32 s4, s13;
	s7 =	sshra.s32 s7, $0x1;
	v7 =	vadd.s32 $0x14, v2;
	vm10 =	vgt.s32 v12, $0x0;
	v8 =	vadd.s32 $0x16, v2;
	[tilespmem:$0x480] =	vst v13  }
0x21: {  	s15 =	smul.u32 $0x13, s13;
	s7 =	ssub.s32 s5, s7;
	vm12 =	vgt.u32 v10, v7;
	v56 =	vnsel vm10, $0x0, v12;
	vm11 =	vlt.u32 v9, v8;
	v57 =	vld.idx.msk [tilespmem:v11+s2+$0x0], $0xffff  }
0x22: {  	s7 =	sadd.s32 $0xFFFFFF7A, s7;
	s10 =	ssub.s32 $0x11, s4;
	s8 =	sshrl.u32 s14, $0x1;
	v9 =	vmin.u32 v56, $0x40E;
	vm1 =	vmand vm11, vm12  }
0x23: {  	p1 =	slt.u32 s13, $0x13;
	p0 =	sgt.s32 s10, $0x0;
	s8 =	sadd.s32 s15, s8;
	v9 =	vnsel vm1, $0x0, v9  }
0x24: {  	s10 =	simm.s32 @!p0 $0x0;
	s7 =	smov.u32 @p1 s8  }
0x25: {  	s16 =	ssub.s32 $0x35, s4;
	s7 =	ssub.s32 s7, s10  }
0x26: {  	s8 =	smin.u32 s16, $0x24;
	v58 =	vadd.s32 s7, v2;
	v10 =	vnsel vm0, $0x0, v57  }
0x27: {  	v59 =	vmov s10;
	v60 =	vmov s8;
	vm13 =	vgt.s32 v58, $0x0;
	[tilespmem:$0x490] =	vst v10  }
0x28: {  	vm14 =	vlt.u32 v59, v1;
	vm15 =	vgt.s32 v60, v0;
	v61 =	vnsel vm13, $0x0, v58;
	v9 =	vld.idx.msk [tilespmem:v9+s2+$0x0], $0xffff  }
0x29: {  	vm2 =	vmand vm14, vm15;
	v10 =	vmin.u32 v61, $0x40E  }
0x2a: {  	v10 =	vnsel vm2, $0x0, v10;
	_ =	sdelay $0x2  }
0x2b: {  	v62 =	vadd.s32 s7, v5;
	v9 =	vnsel vm1, $0x0, v9  }
0x2c: {  	vm4 =	vgt.s32 v62, $0x0;
	[tilespmem:$0x495] =	vst v9  }
0x2d: {  	vm5 =	vlt.u32 v59, v4;
	vm6 =	vgt.u32 v60, v3;
	v63 =	vnsel vm4, $0x0, v62;
	v10 =	vld.idx.msk [tilespmem:v10+s2+$0x0], $0xffff  }
0x2e: {  	vm0 =	vmand vm5, vm6;
	v9 =	vmin.u32 v63, $0x40E  }
0x2f: {  	v9 =	vnsel vm0, $0x0, v9  }
0x30: {  	s17 =	sadd.s32 $0xFFFFFFF0, s4  }
0x31: {  	s6 =	smul.u32 s12, s17  }
0x32: {  	s18 =	sor.u32 $0x2, s4;
	v14 =	vadd.s32 s7, v6;
	v10 =	vnsel vm2, $0x0, v10  }
0x33: {  	s19 =	smul.u32 s13, s18;
	s6 =	sshra.s32 s6, $0x1;
	vm7 =	vgt.s32 v14, $0x0;
	[tilespmem:$0x500] =	vst v10  }
0x34: {  	s20 =	smul.u32 $0x13, s18;
	s6 =	ssub.s32 s5, s6;
	vm9 =	vgt.u32 v60, v7;
	vm8 =	vlt.u32 v59, v8;
	v15 =	vnsel vm7, $0x0, v14;
	v9 =	vld.idx.msk [tilespmem:v9+s2+$0x0], $0xffff  }
0x35: {  	s6 =	sadd.s32 $0xFFFFFF9F, s6;
	s9 =	ssub.s32 $0x10, s4;
	s7 =	sshrl.u32 s19, $0x1;
	vm1 =	vmand vm8, vm9;
	v10 =	vmin.u32 v15, $0x40E  }
0x36: {  	p0 =	sgt.s32 s9, $0x0;
	p1 =	slt.u32 s18, $0x13;
	s7 =	sadd.s32 s20, s7;
	v10 =	vnsel vm1, $0x0, v10  }
0x37: {  	s9 =	simm.s32 @!p0 $0x0;
	s6 =	smov.u32 @p1 s7  }
0x38: {  	s21 =	ssub.s32 $0x34, s4;
	s6 =	ssub.s32 s6, s9  }
0x39: {  	s7 =	smin.u32 s21, $0x24;
	v16 =	vadd.s32 s6, v2;
	v9 =	vnsel vm0, $0x0, v9  }
0x3a: {  	v17 =	vmov s9;
	v18 =	vmov s7;
	vm10 =	vgt.s32 v16, $0x0;
	[tilespmem:$0x510] =	vst v9  }
0x3b: {  	vm11 =	vlt.u32 v17, v1;
	vm12 =	vgt.s32 v18, v0;
	v19 =	vnsel vm10, $0x0, v16;
	v10 =	vld.idx.msk [tilespmem:v10+s2+$0x0], $0xffff  }
0x3c: {  	vm2 =	vmand vm11, vm12;
	v9 =	vmin.u32 v19, $0x40E  }
0x3d: {  	v9 =	vnsel vm2, $0x0, v9;
	_ =	sdelay $0x2  }
0x3e: {  	v20 =	vadd.s32 s6, v5;
	v10 =	vnsel vm1, $0x0, v10  }
0x3f: {  	vm13 =	vgt.s32 v20, $0x0;
	[tilespmem:$0x515] =	vst v10  }
0x40: {  	vm14 =	vlt.u32 v17, v4;
	vm15 =	vgt.u32 v18, v3;
	v21 =	vnsel vm13, $0x0, v20;
	v9 =	vld.idx.msk [tilespmem:v9+s2+$0x0], $0xffff  }
0x41: {  	vm0 =	vmand vm14, vm15;
	v10 =	vmin.u32 v21, $0x40E  }
0x42: {  	v10 =	vnsel vm0, $0x0, v10;
	_ =	sdelay $0x1  }
0x43: {  	s22 =	sadd.s32 $0xFFFFFFF1, s4  }
0x44: {  	s23 =	sor.u32 $0x3, s4;
	s8 =	smul.u32 s17, s22;
	v22 =	vadd.s32 s6, v6;
	v9 =	vnsel vm2, $0x0, v9  }
0x45: {  	s24 =	smul.u32 s18, s23;
	vm4 =	vgt.s32 v22, $0x0;
	[tilespmem:$0x580] =	vst v9  }
0x46: {  	s25 =	smul.u32 $0x13, s23;
	s10 =	ssub.s32 $0xF, s4;
	s8 =	sshra.s32 s8, $0x1;
	v23 =	vnsel vm4, $0x0, v22;
	vm5 =	vlt.u32 v17, v8;
	vm6 =	vgt.u32 v18, v7;
	v10 =	vld.idx.msk [tilespmem:v10+s2+$0x0], $0xffff  }
0x47: {  	p0 =	sgt.s32 s10, $0x0;
	s8 =	ssub.s32 s5, s8;
	s6 =	sshrl.u32 s24, $0x1;
	vm1 =	vmand vm5, vm6;
	v9 =	vmin.u32 v23, $0x40E  }
0x48: {  	p1 =	slt.u32 s23, $0x13;
	s8 =	sadd.s32 $0xFFFFFFC4, s8;
	s6 =	sadd.s32 s25, s6;
	v9 =	vnsel vm1, $0x0, v9  }
0x49: {  	s10 =	simm.s32 @!p0 $0x0;
	s8 =	smov.u32 @p1 s6  }
0x4a: {  	s26 =	ssub.s32 $0x33, s4;
	s8 =	ssub.s32 s8, s10  }
0x4b: {  	s6 =	smin.u32 s26, $0x24;
	v24 =	vadd.s32 s8, v2;
	v10 =	vnsel vm0, $0x0, v10  }
0x4c: {  	v25 =	vmov s10;
	v26 =	vmov s6;
	vm7 =	vgt.s32 v24, $0x0;
	[tilespmem:$0x590] =	vst v10  }
0x4d: {  	v27 =	vnsel vm7, $0x0, v24;
	vm8 =	vlt.u32 v25, v1;
	vm9 =	vgt.s32 v26, v0;
	v9 =	vld.idx.msk [tilespmem:v9+s2+$0x0], $0xffff  }
0x4e: {  	vm2 =	vmand vm8, vm9;
	v10 =	vmin.u32 v27, $0x40E  }
0x4f: {  	v10 =	vnsel vm2, $0x0, v10;
	_ =	sdelay $0x2  }
0x50: {  	v28 =	vadd.s32 s8, v5;
	v9 =	vnsel vm1, $0x0, v9  }
0x51: {  	vm10 =	vgt.s32 v28, $0x0;
	[tilespmem:$0x595] =	vst v9  }
0x52: {  	v29 =	vnsel vm10, $0x0, v28;
	vm11 =	vlt.u32 v25, v4;
	vm12 =	vgt.u32 v26, v3;
	v10 =	vld.idx.msk [tilespmem:v10+s2+$0x0], $0xffff  }
0x53: {  	vm0 =	vmand vm11, vm12;
	v9 =	vmin.u32 v29, $0x40E  }
0x54: {  	v9 =	vnsel vm0, $0x0, v9;
	_ =	sdelay $0x1  }
0x55: {  	s28 =	sadd.s32 $0xFFFFFFF2, s4  }
0x56: {  	s29 =	sor.u32 $0x4, s4;
	s7 =	smul.u32 s22, s28;
	v30 =	vadd.s32 s8, v6;
	v10 =	vnsel vm2, $0x0, v10  }
0x57: {  	s30 =	smul.u32 s23, s29;
	vm13 =	vgt.s32 v30, $0x0;
	[tilespmem:$0x600] =	vst v10  }
0x58: {  	s31 =	smul.u32 $0x13, s29;
	s9 =	ssub.s32 $0xE, s4;
	s7 =	sshra.s32 s7, $0x1;
	v31 =	vnsel vm13, $0x0, v30;
	vm14 =	vlt.u32 v25, v8;
	vm15 =	vgt.u32 v26, v7;
	v9 =	vld.idx.msk [tilespmem:v9+s2+$0x0], $0xffff  }
0x59: {  	p0 =	sgt.s32 s9, $0x0;
	s7 =	ssub.s32 s5, s7;
	s8 =	sshrl.u32 s30, $0x1;
	vm1 =	vmand vm14, vm15;
	v10 =	vmin.u32 v31, $0x40E  }
0x5a: {  	p1 =	slt.u32 s29, $0x13;
	s7 =	sadd.s32 $0xFFFFFFE9, s7;
	s8 =	sadd.s32 s31, s8;
	v10 =	vnsel vm1, $0x0, v10  }
0x5b: {  	s9 =	simm.s32 @!p0 $0x0;
	s7 =	smov.u32 @p1 s8  }
0x5c: {  	s12 =	ssub.s32 $0x32, s4;
	s7 =	ssub.s32 s7, s9  }
0x5d: {  	s8 =	smin.u32 s12, $0x24;
	v32 =	vadd.s32 s7, v2;
	v9 =	vnsel vm0, $0x0, v9  }
0x5e: {  	v33 =	vmov s9;
	v34 =	vmov s8;
	vm4 =	vgt.s32 v32, $0x0;
	[tilespmem:$0x610] =	vst v9  }
0x5f: {  	v35 =	vnsel vm4, $0x0, v32;
	vm5 =	vlt.u32 v33, v1;
	vm6 =	vgt.s32 v34, v0;
	v10 =	vld.idx.msk [tilespmem:v10+s2+$0x0], $0xffff  }
0x60: {  	vm2 =	vmand vm5, vm6;
	v9 =	vmin.u32 v35, $0x40E  }
0x61: {  	v9 =	vnsel vm2, $0x0, v9;
	_ =	sdelay $0x2  }
0x62: {  	v36 =	vadd.s32 s7, v5;
	v10 =	vnsel vm1, $0x0, v10  }
0x63: {  	vm7 =	vgt.s32 v36, $0x0;
	[tilespmem:$0x615] =	vst v10  }
0x64: {  	v37 =	vnsel vm7, $0x0, v36;
	vm8 =	vlt.u32 v33, v4;
	vm9 =	vgt.u32 v34, v3;
	v9 =	vld.idx.msk [tilespmem:v9+s2+$0x0], $0xffff  }
0x65: {  	vm0 =	vmand vm8, vm9;
	v10 =	vmin.u32 v37, $0x40E  }
0x66: {  	v10 =	vnsel vm0, $0x0, v10;
	_ =	sdelay $0x1  }
0x67: {  	s13 =	sadd.s32 $0xFFFFFFF3, s4  }
0x68: {  	s14 =	sor.u32 $0x5, s4;
	s6 =	smul.u32 s28, s13;
	v38 =	vadd.s32 s7, v6;
	v9 =	vnsel vm2, $0x0, v9  }
0x69: {  	s15 =	smul.u32 s29, s14;
	vm10 =	vgt.s32 v38, $0x0;
	[tilespmem:$0x680] =	vst v9  }
0x6a: {  	s16 =	smul.u32 $0x13, s14;
	s10 =	ssub.s32 $0xD, s4;
	s6 =	sshra.s32 s6, $0x1;
	v39 =	vnsel vm10, $0x0, v38;
	vm11 =	vlt.u32 v33, v8;
	vm12 =	vgt.u32 v34, v7;
	v10 =	vld.idx.msk [tilespmem:v10+s2+$0x0], $0xffff  }
0x6b: {  	p0 =	sgt.s32 s10, $0x0;
	s6 =	ssub.s32 s5, s6;
	s7 =	sshrl.u32 s15, $0x1;
	vm1 =	vmand vm11, vm12;
	v9 =	vmin.u32 v39, $0x40E  }
0x6c: {  	p1 =	slt.u32 s14, $0x13;
	s6 =	sadd.s32 $0xE, s6;
	s7 =	sadd.s32 s16, s7;
	v9 =	vnsel vm1, $0x0, v9  }
0x6d: {  	s10 =	simm.s32 @!p0 $0x0;
	s6 =	smov.u32 @p1 s7  }
0x6e: {  	s17 =	ssub.s32 $0x31, s4;
	s6 =	ssub.s32 s6, s10  }
0x6f: {  	s7 =	smin.u32 s17, $0x24;
	v40 =	vadd.s32 s6, v2;
	v10 =	vnsel vm0, $0x0, v10  }
0x70: {  	v41 =	vmov s10;
	v42 =	vmov s7;
	vm13 =	vgt.s32 v40, $0x0;
	[tilespmem:$0x690] =	vst v10  }
0x71: {  	v43 =	vnsel vm13, $0x0, v40;
	vm14 =	vlt.u32 v41, v1;
	vm15 =	vgt.s32 v42, v0;
	v9 =	vld.idx.msk [tilespmem:v9+s2+$0x0], $0xffff  }
0x72: {  	vm2 =	vmand vm14, vm15;
	v10 =	vmin.u32 v43, $0x40E  }
0x73: {  	v10 =	vnsel vm2, $0x0, v10;
	_ =	sdelay $0x2  }
0x74: {  	v44 =	vadd.s32 s6, v5;
	v9 =	vnsel vm1, $0x0, v9  }
0x75: {  	vm4 =	vgt.s32 v44, $0x0;
	[tilespmem:$0x695] =	vst v9  }
0x76: {  	v45 =	vnsel vm4, $0x0, v44;
	vm5 =	vlt.u32 v41, v4;
	vm6 =	vgt.u32 v42, v3;
	v10 =	vld.idx.msk [tilespmem:v10+s2+$0x0], $0xffff  }
0x77: {  	vm0 =	vmand vm5, vm6;
	v9 =	vmin.u32 v45, $0x40E  }
0x78: {  	v9 =	vnsel vm0, $0x0, v9;
	_ =	sdelay $0x1  }
0x79: {  	s18 =	sadd.s32 $0xFFFFFFF4, s4  }
0x7a: {  	s19 =	sor.u32 $0x6, s4;
	s8 =	smul.u32 s13, s18;
	v46 =	vadd.s32 s6, v6;
	v10 =	vnsel vm2, $0x0, v10  }
0x7b: {  	s20 =	smul.u32 s14, s19;
	vm7 =	vgt.s32 v46, $0x0;
	[tilespmem:$0x700] =	vst v10  }
0x7c: {  	s21 =	smul.u32 $0x13, s19;
	s9 =	ssub.s32 $0xC, s4;
	s8 =	sshra.s32 s8, $0x1;
	v47 =	vnsel vm7, $0x0, v46;
	vm8 =	vlt.u32 v41, v8;
	vm9 =	vgt.u32 v42, v7;
	v9 =	vld.idx.msk [tilespmem:v9+s2+$0x0], $0xffff  }
0x7d: {  	p0 =	sgt.s32 s9, $0x0;
	s5 =	ssub.s32 s5, s8;
	s6 =	sshrl.u32 s20, $0x1;
	vm1 =	vmand vm8, vm9;
	v10 =	vmin.u32 v47, $0x40E  }
0x7e: {  	p1 =	slt.u32 s19, $0x13;
	s5 =	sadd.s32 $0x33, s5;
	s6 =	sadd.s32 s21, s6;
	v10 =	vnsel vm1, $0x0, v10  }
0x7f: {  	s9 =	simm.s32 @!p0 $0x0;
	s5 =	smov.u32 @p1 s6  }
0x80: {  	s22 =	ssub.s32 $0x30, s4;
	s5 =	ssub.s32 s5, s9  }
0x81: {  	s6 =	smin.u32 s22, $0x24;
	v48 =	vadd.s32 s5, v2;
	v9 =	vnsel vm0, $0x0, v9  }
0x82: {  	v49 =	vmov s9;
	v50 =	vmov s6;
	vm10 =	vgt.s32 v48, $0x0;
	[tilespmem:$0x710] =	vst v9  }
0x83: {  	v51 =	vnsel vm10, $0x0, v48;
	vm11 =	vlt.u32 v49, v1;
	vm12 =	vgt.s32 v50, v0;
	v10 =	vld.idx.msk [tilespmem:v10+s2+$0x0], $0xffff  }
0x84: {  	vm2 =	vmand vm11, vm12;
	v9 =	vmin.u32 v51, $0x40E  }
0x85: {  	v9 =	vnsel vm2, $0x0, v9;
	_ =	sdelay $0x2  }
0x86: {  	v52 =	vadd.s32 s5, v5;
	v10 =	vnsel vm1, $0x0, v10  }
0x87: {  	vm13 =	vgt.s32 v52, $0x0;
	[tilespmem:$0x715] =	vst v10  }
0x88: {  	v53 =	vnsel vm13, $0x0, v52;
	vm14 =	vlt.u32 v49, v4;
	vm15 =	vgt.u32 v50, v3;
	v9 =	vld.idx.msk [tilespmem:v9+s2+$0x0], $0xffff  }
0x89: {  	vm0 =	vmand vm14, vm15;
	v10 =	vmin.u32 v53, $0x40E  }
0x8a: {  	v10 =	vnsel vm0, $0x0, v10  }
0x8b: {  	s23 =	sshllo.u32 s1, $0x3  }
0x8c: {  	s24 =	smul.u32 s19, s23;
	s25 =	sadd.s32 $0xFFFFFFF5, s4  }
0x8d: {  	s7 =	smul.u32 s18, s25;
	v54 =	vadd.s32 s5, v6;
	v9 =	vnsel vm2, $0x0, v9  }
0x8e: {  	s26 =	smul.u32 $0x25, s25;
	vm4 =	vgt.s32 v54, $0x0;
	[tilespmem:$0x780] =	vst v9  }
0x8f: {  	s28 =	smul.u32 $0x13, s23;
	s8 =	sshrl.u32 s24, $0x1;
	s7 =	sshra.s32 s7, $0x1;
	v55 =	vnsel vm4, $0x0, v54;
	vm5 =	vlt.u32 v49, v8;
	vm6 =	vgt.u32 v50, v7;
	v10 =	vld.idx.msk [tilespmem:v10+s2+$0x0], $0xffff  }
0x90: {  	p1 =	slt.u32 s23, $0x13;
	s9 =	ssub.s32 $0xB, s4;
	s5 =	ssub.s32 s26, s7;
	vm1 =	vmand vm5, vm6;
	v9 =	vmin.u32 v55, $0x40E  }
0x91: {  	s6 =	sadd.s32 s28, s8;
	p0 =	sgt.s32 s9, $0x0;
	s5 =	sadd.s32 $0x1EF, s5;
	v9 =	vnsel vm1, $0x0, v9  }
0x92: {  	s9 =	simm.s32 @!p0 $0x0;
	s5 =	smov.u32 @p1 s6  }
0x93: {  	s4 =	ssub.s32 $0x2F, s4;
	s5 =	ssub.s32 s5, s9  }
0x94: {  	s4 =	smin.u32 s4, $0x24;
	v2 =	vadd.s32 s5, v2;
	v10 =	vnsel vm0, $0x0, v10  }
0x95: {  	v57 =	vmov s4;
	v56 =	vmov s9;
	vm7 =	vgt.s32 v2, $0x0;
	[tilespmem:$0x790] =	vst v10  }
0x96: {  	v58 =	vnsel vm7, $0x0, v2;
	vm8 =	vlt.u32 v56, v1;
	vm9 =	vgt.s32 v57, v0;
	v59 =	vld.idx.msk [tilespmem:v9+s2+$0x0], $0xffff  }
0x97: {  	v1 =	vmin.u32 v58, $0x40E;
	vm0 =	vmand vm8, vm9  }
0x98: {  	v1 =	vnsel vm0, $0x0, v1;
	_ =	sdelay $0x2  }
0x99: {  	v60 =	vadd.s32 s5, v5;
	v0 =	vnsel vm1, $0x0, v59  }
0x9a: {  	vm10 =	vgt.s32 v60, $0x0;
	[tilespmem:$0x795] =	vst v0  }
0x9b: {  	v61 =	vnsel vm10, $0x0, v60;
	vm11 =	vlt.u32 v56, v4;
	vm12 =	vgt.u32 v57, v3;
	v1 =	vld.idx.msk [tilespmem:v1+s2+$0x0], $0xffff  }
0x9c: {  	vm1 =	vmand vm11, vm12;
	v0 =	vmin.u32 v61, $0x40E  }
0x9d: {  	v0 =	vnsel vm1, $0x0, v0;
	_ =	sdelay $0x2  }
0x9e: {  	v62 =	vadd.s32 s5, v6;
	v1 =	vnsel vm0, $0x0, v1  }
0x9f: {  	vm13 =	vgt.s32 v62, $0x0;
	[tilespmem:$0x800] =	vst v1  }
0xa0: {  	v63 =	vnsel vm13, $0x0, v62;
	vm14 =	vlt.u32 v56, v8;
	vm15 =	vgt.u32 v57, v7;
	v0 =	vld.idx.msk [tilespmem:v0+s2+$0x0], $0xffff  }
0xa1: {  	vm0 =	vmand vm14, vm15;
	v1 =	vmin.u32 v63, $0x40E  }
0xa2: {  	v1 =	vnsel vm0, $0x0, v1;
	_ =	sdelay $0x2  }
0xa3: {  	v0 =	vnsel vm1, $0x0, v0  }
0xa4: {  	[tilespmem:$0x810] =	vst v0  }
0xa5: {  	v0 =	vld.idx.msk [tilespmem:v1+s2+$0x0], $0xffff;
	_ =	sdelay $0x4  }
0xa6: {  	s29 =	sshll.u32 s1, $0x7;
	v0 =	vnsel vm0, $0x0, v0  }
0xa7: {  	s3 =	sadd.s32 s3, s29;
	s30 =	simm.s32 $0x480;
	s31 =	simm.s32 $0x2;
	[tilespmem:$0x815] =	vst v0  }
0xa8: {  	[hbm4b:s3+s2] =	stream.linear.scatter [tilespmem:s30], [sflag:$0x2], $0x400, $0x38;
	[tilespmem:$0x880] =	vst v63  }
0xa9: {  	_ =	swait.ge [sflag:s31], $0x400  }
0xaa: {  	[sflag:s31] =	ssyncset.done $0x0  }
0xab: {  	[sflag:s31] =	ssyncadd.s32 $0xFFFFFC00  }
.LBB2_2:
0xac: {  	_ =	sfence.sel $0x180000  }
0xad: {  	[bflag:$0x0] =	sbarrier.arrive $0xFFFF  }
0xae: {  	p0 =	sne.s32 s1, $0x0;
	_ =	strace $0x90000047  }
0xaf: {  	s0 =	sadd.s32 @!p0 $0x100000, s0;
	[bflag:$0x2] =	sbarrier.arrive $0xFFFF  }
0xb0: {  	[sflag:s0] =	ssyncadd.tile.s32 @!p0 $0x1;
	_ =	shalt  }
.Lfunc_end2:
_tile_overlayer_lowered:
.L_overlay_start_2:
0xb1: {  	(tag) =	ssettag $0x2  }
0xb2: {  	s0 =	rddreg [dreg:$0x0];
	s2 =	stileid.u32  }
0xb3: {  	s1 =	rddreg [dreg:$0x1];
	p0 =	sne.s32 s2, $0x0  }
0xb4: {  	s3 =	rddreg [dreg:$0x2];
	[bflag:$0x3] =	sbarrier.arrive $0xFFFF;
	s2 =	simm.s32 @!p0 $0x1C02  }
0xb5: {  	[timem:s3], [sflag:s2] =	dma.local @!p0 [hbm:s0], s1  }
0xb6: {  	s0 =	simm.s32 @!p0 $0x2  }
0xb7: {  	_ =	swait.ge @!p0 [sflag:s0], s1  }
0xb8: {  	s1 =	ssub.s32 @!p0 $0x0, s1;
	[sflag:s0] =	ssyncset.done @!p0 $0x0  }
0xb9: {  	[sflag:s0] =	ssyncadd.s32 @!p0 s1  }
0xba: {  	[bflag:$0x3] =	sbarrier.arrive $0xFFFF  }
0xbb: {  	_ =	shalt  }

</sc_bundles>
